<compile_context>
chip_gen: v7x
topology: tpu7x:2x2x1
jax: 0.10.2.dev20260603
libtpu: 0.0.44.dev20260713+nightly
codegen_flags: <defaults>
</compile_context>

<pallas_src>
import functools

import jax
import jax.numpy as jnp
from jax import lax
from jax.experimental import pallas as pl
from jax.experimental.pallas import tpu as pltpu
from jax.experimental.pallas import tpu_sc as plsc

N_NODES = 10000
HID = 128
N_EDGES = 320000

NC = 2
NS = 16
NW = NC * NS

CHUNK = 128
CHUNKS_PER_TILE = 160
EDGES_PER_TILE = CHUNK * CHUNKS_PER_TILE
E_PAD = EDGES_PER_TILE * NS
N_PAD = 10240
ROWS_PER_TILE = N_PAD // NS
HALF = HID // NC

BLK = 1000
NBUF = 8


def _sc_scatter(src_p, dst_p, w_split, zeros_blk):
  mesh = plsc.VectorSubcoreMesh(core_axis_name="c", subcore_axis_name="s")

  @functools.partial(
      pl.kernel,
      out_type=jax.ShapeDtypeStruct((NC, N_PAD, HALF), jnp.bfloat16),
      mesh=mesh,
      scratch_types=[
          pltpu.VMEM((CHUNKS_PER_TILE, CHUNK), jnp.int32),
          pltpu.VMEM((CHUNKS_PER_TILE, CHUNK), jnp.int32),
          [pltpu.VMEM((CHUNK, HALF), jnp.bfloat16)] * NBUF,
          [pltpu.SemaphoreType.DMA] * NBUF,
          [pltpu.SemaphoreType.DMA] * NBUF,
          pltpu.VMEM_SHARED((N_PAD, HALF), jnp.bfloat16),
      ],
      compiler_params=pltpu.CompilerParams(use_tc_tiling_on_sc=False),
  )
  def k(src_hbm, dst_hbm, w_hbm, z_hbm, out_hbm, src_v, dst_v, bufs, gsems,
        ssems, acc):
    c = lax.axis_index("c")
    s = lax.axis_index("s")
    wh = w_hbm.at[c]

    pltpu.sync_copy(z_hbm, bufs[0])
    for kk in range(ROWS_PER_TILE // CHUNK):
      pltpu.sync_copy(bufs[0], acc.at[pl.ds(s * ROWS_PER_TILE + kk * CHUNK,
                                            CHUNK)])
    base = s * CHUNKS_PER_TILE
    pltpu.sync_copy(src_hbm.at[pl.ds(base, CHUNKS_PER_TILE)], src_v)
    pltpu.sync_copy(dst_hbm.at[pl.ds(base, CHUNKS_PER_TILE)], dst_v)
    plsc.subcore_barrier()

    for t in range(NBUF):
      pltpu.async_copy(wh.at[src_v.at[t]], bufs[t], gsems[t])

    def body(g, carry):
      for t in range(NBUF):
        j = g * NBUF + t
        tp = (t - 1) % NBUF
        pltpu.make_async_copy(wh.at[src_v.at[j]], bufs[t], gsems[t]).wait()
        pltpu.async_copy(bufs[t], acc.at[dst_v.at[j]], ssems[t], add=True)

        def drain_refill():
          pltpu.make_async_copy(bufs[tp], acc.at[dst_v.at[j]],
                                ssems[tp]).wait()

          @pl.when(j - 1 + NBUF < CHUNKS_PER_TILE)
          def _():
            pltpu.async_copy(wh.at[src_v.at[j - 1 + NBUF]], bufs[tp],
                             gsems[tp])

        if t == 0:
          pl.when(g >= 1)(drain_refill)
        else:
          drain_refill()
      return carry

    lax.fori_loop(0, CHUNKS_PER_TILE // NBUF, body, 0)
    pltpu.make_async_copy(bufs[(CHUNKS_PER_TILE - 1) % NBUF],
                          acc.at[dst_v.at[0]],
                          ssems[(CHUNKS_PER_TILE - 1) % NBUF]).wait()
    plsc.subcore_barrier()

    for kk in range(ROWS_PER_TILE // CHUNK):
      off = s * ROWS_PER_TILE + kk * CHUNK
      pltpu.sync_copy(acc.at[pl.ds(off, CHUNK)], bufs[kk % NBUF])
      pltpu.sync_copy(bufs[kk % NBUF], out_hbm.at[c, pl.ds(off, CHUNK)])

  return k(src_p, dst_p, w_split, zeros_blk)


def _tc_main_body(acc_ref, x_ref, b_edge_ref, node_W_ref, node_b_ref,
                  cat1_W_ref, cat1_b_ref, cat2_W_ref, cat2_b_ref,
                  f1_W_ref, f1_b_ref, gamma_ref, beta_ref, f2_W_ref, f2_b_ref,
                  out_ref, h_all, stats_ref):
  f32 = jnp.float32
  ph = pl.program_id(0)
  i = pl.program_id(1)

  @pl.when(ph == 0)
  def _():
    A = jnp.concatenate([acc_ref[0], acc_ref[1]],
                      axis=1).astype(f32) + b_edge_ref[...]
    out1 = A + jnp.dot(A, cat1_W_ref[...], preferred_element_type=f32) \
        + cat1_b_ref[...]
    xn = jnp.dot(x_ref[...], node_W_ref[...], preferred_element_type=f32) \
        + node_b_ref[...]
    out2 = out1 + xn \
        + jnp.dot(xn, cat2_W_ref[...], preferred_element_type=f32) \
        + cat2_b_ref[...]
    h = jnp.maximum(out2, 0.0)
    h1 = jnp.dot(h, f1_W_ref[...], preferred_element_type=f32) + f1_b_ref[...]
    h2 = jnp.maximum(h1, 0.0)
    h_all[pl.ds(i * BLK, BLK), :] = h2

    @pl.when(i == 0)
    def _():
      stats_ref[...] = jnp.zeros((8, HID), f32)

    stats_ref[0:1, :] += jnp.sum(h2, axis=0, keepdims=True)
    stats_ref[1:2, :] += jnp.sum(h2 * h2, axis=0, keepdims=True)

  @pl.when(ph == 1)
  def _():
    inv_n = 1.0 / N_NODES
    mean = stats_ref[0:1, :] * inv_n
    var = stats_ref[1:2, :] * inv_n - mean * mean
    scale = gamma_ref[...] * lax.rsqrt(var + 1e-5)
    shift = beta_ref[...] - mean * scale
    hn = h_all[pl.ds(i * BLK, BLK), :] * scale + shift
    out_ref[...] = jnp.dot(hn, f2_W_ref[...],
                           preferred_element_type=f32) + f2_b_ref[...]


def kernel(x, edge_index, W_edge, b_edge, node_W, node_b, cat1_W, cat1_b,
           cat2_W, cat2_b, f1_W, f1_b, bn_gamma, bn_beta, f2_W, f2_b):
  f32 = jnp.float32
  n_extra = E_PAD - N_EDGES
  src_p = jnp.concatenate(
      [edge_index[0], jnp.zeros((n_extra,), jnp.int32)]).reshape(
          NS * CHUNKS_PER_TILE, CHUNK)
  dst_p = jnp.concatenate(
      [edge_index[1], jnp.full((n_extra,), N_NODES, jnp.int32)]).reshape(
          NS * CHUNKS_PER_TILE, CHUNK)
  zeros_blk = jnp.zeros((CHUNK, HALF), jnp.bfloat16)
  w_split = jnp.stack(
      [W_edge[:, :HALF], W_edge[:, HALF:]]).astype(jnp.bfloat16)

  acc = _sc_scatter(src_p, dst_p, w_split, zeros_blk)

  n_blocks = N_NODES // BLK
  row_spec = pl.BlockSpec((BLK, HID), lambda p, i: (i, 0))
  vec_spec = pl.BlockSpec((1, HID), lambda p, i: (0, 0))
  mat_spec = pl.BlockSpec((HID, HID), lambda p, i: (0, 0))

  out = pl.pallas_call(
      _tc_main_body,
      grid=(2, n_blocks),
      in_specs=[
          pl.BlockSpec((NC, BLK, HALF), lambda p, i: (0, i, 0)),
          row_spec,
          vec_spec,
          mat_spec, vec_spec,
          mat_spec, vec_spec,
          mat_spec, vec_spec,
          mat_spec, vec_spec,
          vec_spec, vec_spec,
          mat_spec, vec_spec,
      ],
      out_specs=row_spec,
      out_shape=jax.ShapeDtypeStruct((N_NODES, HID), f32),
      scratch_shapes=[
          pltpu.VMEM((N_NODES, HID), f32),
          pltpu.VMEM((8, HID), f32),
      ],
  )(acc, x, b_edge.reshape(1, HID), node_W, node_b.reshape(1, HID),
    cat1_W, cat1_b.reshape(1, HID), cat2_W, cat2_b.reshape(1, HID),
    f1_W, f1_b.reshape(1, HID), bn_gamma.reshape(1, HID),
    bn_beta.reshape(1, HID), f2_W, f2_b.reshape(1, HID))
  return out

# --- scband reference (transcript-rebuilt; emitter-appended) ---
"""Pipeline reference for scband-linkx-12962211299588 (READ-ONLY COPY).

The authoritative reference and input builder live on the scoring server;
editing this copy changes nothing except your own understanding.
"""

import jax, jax.numpy as jnp
import numpy as np

NUM_NODES = 10000
IN_CH = 128
HID = 128
OUT_CH = 128
N_EDGES = 320000


def setup_inputs(seed: int = 0) -> dict:
    key = jax.random.key(seed)
    ks = jax.random.split(key, 16)
    x = jax.random.normal(ks[0], (NUM_NODES, IN_CH), dtype=jnp.float32)
    edge_index = jax.random.randint(ks[1], (2, N_EDGES), 0, NUM_NODES, dtype=jnp.int64 if jax.config.jax_enable_x64 else jnp.int32).astype(jnp.int32)
    s = 1.0 / np.sqrt(HID)
    W_edge = jax.random.uniform(ks[2], (NUM_NODES, HID), jnp.float32, -s, s)
    b_edge = jax.random.uniform(ks[3], (HID,), jnp.float32, -s, s)
    node_W = jax.random.uniform(ks[4], (IN_CH, HID), jnp.float32, -s, s)
    node_b = jax.random.uniform(ks[5], (HID,), jnp.float32, -s, s)
    cat1_W = jax.random.uniform(ks[6], (HID, HID), jnp.float32, -s, s)
    cat1_b = jax.random.uniform(ks[7], (HID,), jnp.float32, -s, s)
    cat2_W = jax.random.uniform(ks[8], (HID, HID), jnp.float32, -s, s)
    cat2_b = jax.random.uniform(ks[9], (HID,), jnp.float32, -s, s)
    f1_W = jax.random.uniform(ks[10], (HID, HID), jnp.float32, -s, s)
    f1_b = jax.random.uniform(ks[11], (HID,), jnp.float32, -s, s)
    bn_gamma = jnp.ones((HID,), jnp.float32)
    bn_beta = jnp.zeros((HID,), jnp.float32)
    f2_W = jax.random.uniform(ks[12], (HID, OUT_CH), jnp.float32, -s, s)
    f2_b = jax.random.uniform(ks[13], (OUT_CH,), jnp.float32, -s, s)
    return {
        'x': x, 'edge_index': edge_index,
        'W_edge': W_edge, 'b_edge': b_edge,
        'node_W': node_W, 'node_b': node_b,
        'cat1_W': cat1_W, 'cat1_b': cat1_b,
        'cat2_W': cat2_W, 'cat2_b': cat2_b,
        'f1_W': f1_W, 'f1_b': f1_b,
        'bn_gamma': bn_gamma, 'bn_beta': bn_beta,
        'f2_W': f2_W, 'f2_b': f2_b,
    }


def reference(x, edge_index, W_edge, b_edge, node_W, node_b, cat1_W, cat1_b,
              cat2_W, cat2_b, f1_W, f1_b, bn_gamma, bn_beta, f2_W, f2_b):
    src = edge_index[0]
    dst = edge_index[1]
    # SparseLinear: gather weight rows by source node, scatter-add at destination node
    msgs = jnp.take(W_edge, src, axis=0)                      # [E, HID] gather
    out = jax.ops.segment_sum(msgs, dst, num_segments=NUM_NODES)  # [N, HID] scatter-add
    out = out + b_edge
    # out = out + cat_lin1(out)
    out = out + (out @ cat1_W + cat1_b)
    # node_mlp (single linear, plain_last)
    xn = x @ node_W + node_b
    out = out + xn
    out = out + (xn @ cat2_W + cat2_b)
    # final_mlp: Linear -> relu (act_first) -> batch_norm -> Linear (plain last)
    h = jax.nn.relu(out)
    h = h @ f1_W + f1_b
    h = jax.nn.relu(h)
    mean = jnp.mean(h, axis=0)
    var = jnp.var(h, axis=0)
    h = (h - mean) / jnp.sqrt(var + 1e-5) * bn_gamma + bn_beta
    out = h @ f2_W + f2_b
    return out

if __name__ == "__main__":
    import jax
    _d = setup_inputs()
    print(jax.jit(kernel)(*tuple(_d.values())))

</pallas_src>

<mosaic_0001>
#map = affine_map<(d0, d1) -> (0, 0)>
#map1 = affine_map<(d0, d1) -> (0, 0, 0)>
module attributes {stable_mosaic.version = 14 : i64} {
  func.func @k(%arg0: i32, %arg1: i32, %arg2: memref<2560x128xi32, #tpu.memory_space<hbm>>, %arg3: memref<2560x128xi32, #tpu.memory_space<hbm>>, %arg4: memref<2x10000x64xbf16, #tpu.memory_space<hbm>>, %arg5: memref<128x64xbf16, #tpu.memory_space<hbm>>, %arg6: memref<2x10240x64xbf16, #tpu.memory_space<hbm>>, %arg7: memref<160x128xi32, #tpu.memory_space<vmem>>, %arg8: memref<160x128xi32, #tpu.memory_space<vmem>>, %arg9: memref<128x64xbf16, #tpu.memory_space<vmem>>, %arg10: memref<128x64xbf16, #tpu.memory_space<vmem>>, %arg11: memref<128x64xbf16, #tpu.memory_space<vmem>>, %arg12: memref<128x64xbf16, #tpu.memory_space<vmem>>, %arg13: memref<128x64xbf16, #tpu.memory_space<vmem>>, %arg14: memref<128x64xbf16, #tpu.memory_space<vmem>>, %arg15: memref<128x64xbf16, #tpu.memory_space<vmem>>, %arg16: memref<128x64xbf16, #tpu.memory_space<vmem>>, %arg17: memref<!tpu.dma_semaphore, #tpu.memory_space<semaphore_mem>>, %arg18: memref<!tpu.dma_semaphore, #tpu.memory_space<semaphore_mem>>, %arg19: memref<!tpu.dma_semaphore, #tpu.memory_space<semaphore_mem>>, %arg20: memref<!tpu.dma_semaphore, #tpu.memory_space<semaphore_mem>>, %arg21: memref<!tpu.dma_semaphore, #tpu.memory_space<semaphore_mem>>, %arg22: memref<!tpu.dma_semaphore, #tpu.memory_space<semaphore_mem>>, %arg23: memref<!tpu.dma_semaphore, #tpu.memory_space<semaphore_mem>>, %arg24: memref<!tpu.dma_semaphore, #tpu.memory_space<semaphore_mem>>, %arg25: memref<!tpu.dma_semaphore, #tpu.memory_space<semaphore_mem>>, %arg26: memref<!tpu.dma_semaphore, #tpu.memory_space<semaphore_mem>>, %arg27: memref<!tpu.dma_semaphore, #tpu.memory_space<semaphore_mem>>, %arg28: memref<!tpu.dma_semaphore, #tpu.memory_space<semaphore_mem>>, %arg29: memref<!tpu.dma_semaphore, #tpu.memory_space<semaphore_mem>>, %arg30: memref<!tpu.dma_semaphore, #tpu.memory_space<semaphore_mem>>, %arg31: memref<!tpu.dma_semaphore, #tpu.memory_space<semaphore_mem>>, %arg32: memref<!tpu.dma_semaphore, #tpu.memory_space<semaphore_mem>>, %arg33: memref<10240x64xbf16, #tpu.memory_space<vmem_shared>>) attributes {dimension_semantics = [#tpu.dimension_semantics<core_parallel>, #tpu.dimension_semantics<subcore_parallel>], iteration_bounds = array<i64: 2, 16>, scalar_prefetch = 0 : i64, scratch_operands = 27 : i64, tpu.core_type = #tpu.core_type<sc_vector_subcore>, window_params = [{transform_indices = #map}, {transform_indices = #map}, {transform_indices = #map1}, {transform_indices = #map}, {transform_indices = #map1}]} {
    "tpu.region"() ({
      %run_scoped3A = tpu.sem_alloc : memref<!tpu.dma_semaphore, #tpu.memory_space<semaphore_mem>>
      tpu.enqueue_dma source(%arg5 : memref<128x64xbf16, #tpu.memory_space<hbm>>) target(%arg9 : memref<128x64xbf16, #tpu.memory_space<vmem>>) target_semaphore(%run_scoped3A : memref<!tpu.dma_semaphore, #tpu.memory_space<semaphore_mem>>)
      tpu.wait_dma2 semaphore(%run_scoped3A : memref<!tpu.dma_semaphore, #tpu.memory_space<semaphore_mem>>) src(%arg5 : memref<128x64xbf16, #tpu.memory_space<hbm>>) dst(%arg9 : memref<128x64xbf16, #tpu.memory_space<vmem>>)
      tpu.yield
    }) : () -> ()
    %mul3A = arith.constant 640 : i32
    %mul3A_0 = arith.muli %arg1, %mul3A : i32
    %add3A = arith.constant 0 : i32
    %add3A_1 = arith.addi %mul3A_0, %add3A : i32
    "tpu.region"() ({
      %run_scoped3A = tpu.sem_alloc : memref<!tpu.dma_semaphore, #tpu.memory_space<semaphore_mem>>
      %dma_start3A_139 = arith.constant 0 : i32
      %dma_start3A_140 = tpu.memref_slice %arg33[%add3A_1, %dma_start3A_139] : memref<10240x64xbf16, #tpu.memory_space<vmem_shared>> -> memref<128x64xbf16, #tpu.memory_space<vmem_shared>>
      %dma_start3A_141 = arith.constant 0 : i32
      %dma_start3A_142 = tpu.memref_slice %arg33[%add3A_1, %dma_start3A_141] : memref<10240x64xbf16, #tpu.memory_space<vmem_shared>> -> memref<128x64xbf16, #tpu.memory_space<vmem_shared>>
      tpu.enqueue_dma source(%arg9 : memref<128x64xbf16, #tpu.memory_space<vmem>>) target(%dma_start3A_142 : memref<128x64xbf16, #tpu.memory_space<vmem_shared>>) target_semaphore(%run_scoped3A : memref<!tpu.dma_semaphore, #tpu.memory_space<semaphore_mem>>)
      %dma_wait3A_143 = arith.constant 0 : i32
      %dma_wait3A_144 = tpu.memref_slice %arg33[%add3A_1, %dma_wait3A_143] : memref<10240x64xbf16, #tpu.memory_space<vmem_shared>> -> memref<128x64xbf16, #tpu.memory_space<vmem_shared>>
      %dma_wait3A_145 = arith.constant 0 : i32
      %dma_wait3A_146 = tpu.memref_slice %arg33[%add3A_1, %dma_wait3A_145] : memref<10240x64xbf16, #tpu.memory_space<vmem_shared>> -> memref<128x64xbf16, #tpu.memory_space<vmem_shared>>
      tpu.wait_dma2 semaphore(%run_scoped3A : memref<!tpu.dma_semaphore, #tpu.memory_space<semaphore_mem>>) src(%arg9 : memref<128x64xbf16, #tpu.memory_space<vmem>>) dst(%dma_wait3A_146 : memref<128x64xbf16, #tpu.memory_space<vmem_shared>>)
      tpu.yield
    }) : () -> ()
    %mul3A_2 = arith.constant 640 : i32
    %mul3A_3 = arith.muli %arg1, %mul3A_2 : i32
    %add3A_4 = arith.constant 128 : i32
    %add3A_5 = arith.addi %mul3A_3, %add3A_4 : i32
    "tpu.region"() ({
      %run_scoped3A = tpu.sem_alloc : memref<!tpu.dma_semaphore, #tpu.memory_space<semaphore_mem>>
      %dma_start3A_139 = arith.constant 0 : i32
      %dma_start3A_140 = tpu.memref_slice %arg33[%add3A_5, %dma_start3A_139] : memref<10240x64xbf16, #tpu.memory_space<vmem_shared>> -> memref<128x64xbf16, #tpu.memory_space<vmem_shared>>
      %dma_start3A_141 = arith.constant 0 : i32
      %dma_start3A_142 = tpu.memref_slice %arg33[%add3A_5, %dma_start3A_141] : memref<10240x64xbf16, #tpu.memory_space<vmem_shared>> -> memref<128x64xbf16, #tpu.memory_space<vmem_shared>>
      tpu.enqueue_dma source(%arg9 : memref<128x64xbf16, #tpu.memory_space<vmem>>) target(%dma_start3A_142 : memref<128x64xbf16, #tpu.memory_space<vmem_shared>>) target_semaphore(%run_scoped3A : memref<!tpu.dma_semaphore, #tpu.memory_space<semaphore_mem>>)
      %dma_wait3A_143 = arith.constant 0 : i32
      %dma_wait3A_144 = tpu.memref_slice %arg33[%add3A_5, %dma_wait3A_143] : memref<10240x64xbf16, #tpu.memory_space<vmem_shared>> -> memref<128x64xbf16, #tpu.memory_space<vmem_shared>>
      %dma_wait3A_145 = arith.constant 0 : i32
      %dma_wait3A_146 = tpu.memref_slice %arg33[%add3A_5, %dma_wait3A_145] : memref<10240x64xbf16, #tpu.memory_space<vmem_shared>> -> memref<128x64xbf16, #tpu.memory_space<vmem_shared>>
      tpu.wait_dma2 semaphore(%run_scoped3A : memref<!tpu.dma_semaphore, #tpu.memory_space<semaphore_mem>>) src(%arg9 : memref<128x64xbf16, #tpu.memory_space<vmem>>) dst(%dma_wait3A_146 : memref<128x64xbf16, #tpu.memory_space<vmem_shared>>)
      tpu.yield
    }) : () -> ()
    %mul3A_6 = arith.constant 640 : i32
    %mul3A_7 = arith.muli %arg1, %mul3A_6 : i32
    %add3A_8 = arith.constant 256 : i32
    %add3A_9 = arith.addi %mul3A_7, %add3A_8 : i32
    "tpu.region"() ({
      %run_scoped3A = tpu.sem_alloc : memref<!tpu.dma_semaphore, #tpu.memory_space<semaphore_mem>>
      %dma_start3A_139 = arith.constant 0 : i32
      %dma_start3A_140 = tpu.memref_slice %arg33[%add3A_9, %dma_start3A_139] : memref<10240x64xbf16, #tpu.memory_space<vmem_shared>> -> memref<128x64xbf16, #tpu.memory_space<vmem_shared>>
      %dma_start3A_141 = arith.constant 0 : i32
      %dma_start3A_142 = tpu.memref_slice %arg33[%add3A_9, %dma_start3A_141] : memref<10240x64xbf16, #tpu.memory_space<vmem_shared>> -> memref<128x64xbf16, #tpu.memory_space<vmem_shared>>
      tpu.enqueue_dma source(%arg9 : memref<128x64xbf16, #tpu.memory_space<vmem>>) target(%dma_start3A_142 : memref<128x64xbf16, #tpu.memory_space<vmem_shared>>) target_semaphore(%run_scoped3A : memref<!tpu.dma_semaphore, #tpu.memory_space<semaphore_mem>>)
      %dma_wait3A_143 = arith.constant 0 : i32
      %dma_wait3A_144 = tpu.memref_slice %arg33[%add3A_9, %dma_wait3A_143] : memref<10240x64xbf16, #tpu.memory_space<vmem_shared>> -> memref<128x64xbf16, #tpu.memory_space<vmem_shared>>
      %dma_wait3A_145 = arith.constant 0 : i32
      %dma_wait3A_146 = tpu.memref_slice %arg33[%add3A_9, %dma_wait3A_145] : memref<10240x64xbf16, #tpu.memory_space<vmem_shared>> -> memref<128x64xbf16, #tpu.memory_space<vmem_shared>>
      tpu.wait_dma2 semaphore(%run_scoped3A : memref<!tpu.dma_semaphore, #tpu.memory_space<semaphore_mem>>) src(%arg9 : memref<128x64xbf16, #tpu.memory_space<vmem>>) dst(%dma_wait3A_146 : memref<128x64xbf16, #tpu.memory_space<vmem_shared>>)
      tpu.yield
    }) : () -> ()
    %mul3A_10 = arith.constant 640 : i32
    %mul3A_11 = arith.muli %arg1, %mul3A_10 : i32
    %add3A_12 = arith.constant 384 : i32
    %add3A_13 = arith.addi %mul3A_11, %add3A_12 : i32
    "tpu.region"() ({
      %run_scoped3A = tpu.sem_alloc : memref<!tpu.dma_semaphore, #tpu.memory_space<semaphore_mem>>
      %dma_start3A_139 = arith.constant 0 : i32
      %dma_start3A_140 = tpu.memref_slice %arg33[%add3A_13, %dma_start3A_139] : memref<10240x64xbf16, #tpu.memory_space<vmem_shared>> -> memref<128x64xbf16, #tpu.memory_space<vmem_shared>>
      %dma_start3A_141 = arith.constant 0 : i32
      %dma_start3A_142 = tpu.memref_slice %arg33[%add3A_13, %dma_start3A_141] : memref<10240x64xbf16, #tpu.memory_space<vmem_shared>> -> memref<128x64xbf16, #tpu.memory_space<vmem_shared>>
      tpu.enqueue_dma source(%arg9 : memref<128x64xbf16, #tpu.memory_space<vmem>>) target(%dma_start3A_142 : memref<128x64xbf16, #tpu.memory_space<vmem_shared>>) target_semaphore(%run_scoped3A : memref<!tpu.dma_semaphore, #tpu.memory_space<semaphore_mem>>)
      %dma_wait3A_143 = arith.constant 0 : i32
      %dma_wait3A_144 = tpu.memref_slice %arg33[%add3A_13, %dma_wait3A_143] : memref<10240x64xbf16, #tpu.memory_space<vmem_shared>> -> memref<128x64xbf16, #tpu.memory_space<vmem_shared>>
      %dma_wait3A_145 = arith.constant 0 : i32
      %dma_wait3A_146 = tpu.memref_slice %arg33[%add3A_13, %dma_wait3A_145] : memref<10240x64xbf16, #tpu.memory_space<vmem_shared>> -> memref<128x64xbf16, #tpu.memory_space<vmem_shared>>
      tpu.wait_dma2 semaphore(%run_scoped3A : memref<!tpu.dma_semaphore, #tpu.memory_space<semaphore_mem>>) src(%arg9 : memref<128x64xbf16, #tpu.memory_space<vmem>>) dst(%dma_wait3A_146 : memref<128x64xbf16, #tpu.memory_space<vmem_shared>>)
      tpu.yield
    }) : () -> ()
    %mul3A_14 = arith.constant 640 : i32
    %mul3A_15 = arith.muli %arg1, %mul3A_14 : i32
    %add3A_16 = arith.constant 512 : i32
    %add3A_17 = arith.addi %mul3A_15, %add3A_16 : i32
    "tpu.region"() ({
      %run_scoped3A = tpu.sem_alloc : memref<!tpu.dma_semaphore, #tpu.memory_space<semaphore_mem>>
      %dma_start3A_139 = arith.constant 0 : i32
      %dma_start3A_140 = tpu.memref_slice %arg33[%add3A_17, %dma_start3A_139] : memref<10240x64xbf16, #tpu.memory_space<vmem_shared>> -> memref<128x64xbf16, #tpu.memory_space<vmem_shared>>
      %dma_start3A_141 = arith.constant 0 : i32
      %dma_start3A_142 = tpu.memref_slice %arg33[%add3A_17, %dma_start3A_141] : memref<10240x64xbf16, #tpu.memory_space<vmem_shared>> -> memref<128x64xbf16, #tpu.memory_space<vmem_shared>>
      tpu.enqueue_dma source(%arg9 : memref<128x64xbf16, #tpu.memory_space<vmem>>) target(%dma_start3A_142 : memref<128x64xbf16, #tpu.memory_space<vmem_shared>>) target_semaphore(%run_scoped3A : memref<!tpu.dma_semaphore, #tpu.memory_space<semaphore_mem>>)
      %dma_wait3A_143 = arith.constant 0 : i32
      %dma_wait3A_144 = tpu.memref_slice %arg33[%add3A_17, %dma_wait3A_143] : memref<10240x64xbf16, #tpu.memory_space<vmem_shared>> -> memref<128x64xbf16, #tpu.memory_space<vmem_shared>>
      %dma_wait3A_145 = arith.constant 0 : i32
      %dma_wait3A_146 = tpu.memref_slice %arg33[%add3A_17, %dma_wait3A_145] : memref<10240x64xbf16, #tpu.memory_space<vmem_shared>> -> memref<128x64xbf16, #tpu.memory_space<vmem_shared>>
      tpu.wait_dma2 semaphore(%run_scoped3A : memref<!tpu.dma_semaphore, #tpu.memory_space<semaphore_mem>>) src(%arg9 : memref<128x64xbf16, #tpu.memory_space<vmem>>) dst(%dma_wait3A_146 : memref<128x64xbf16, #tpu.memory_space<vmem_shared>>)
      tpu.yield
    }) : () -> ()
    %mul3A_18 = arith.constant 160 : i32
    %mul3A_19 = arith.muli %arg1, %mul3A_18 : i32
    "tpu.region"() ({
      %run_scoped3A = tpu.sem_alloc : memref<!tpu.dma_semaphore, #tpu.memory_space<semaphore_mem>>
      %dma_start3A_139 = arith.constant 0 : i32
      %dma_start3A_140 = tpu.memref_slice %arg2[%mul3A_19, %dma_start3A_139] : memref<2560x128xi32, #tpu.memory_space<hbm>> -> memref<160x128xi32, #tpu.memory_space<hbm>>
      %dma_start3A_141 = arith.constant 0 : i32
      %dma_start3A_142 = tpu.memref_slice %arg2[%mul3A_19, %dma_start3A_141] : memref<2560x128xi32, #tpu.memory_space<hbm>> -> memref<160x128xi32, #tpu.memory_space<hbm>>
      tpu.enqueue_dma source(%dma_start3A_142 : memref<160x128xi32, #tpu.memory_space<hbm>>) target(%arg7 : memref<160x128xi32, #tpu.memory_space<vmem>>) target_semaphore(%run_scoped3A : memref<!tpu.dma_semaphore, #tpu.memory_space<semaphore_mem>>)
      %dma_wait3A_143 = arith.constant 0 : i32
      %dma_wait3A_144 = tpu.memref_slice %arg2[%mul3A_19, %dma_wait3A_143] : memref<2560x128xi32, #tpu.memory_space<hbm>> -> memref<160x128xi32, #tpu.memory_space<hbm>>
      %dma_wait3A_145 = arith.constant 0 : i32
      %dma_wait3A_146 = tpu.memref_slice %arg2[%mul3A_19, %dma_wait3A_145] : memref<2560x128xi32, #tpu.memory_space<hbm>> -> memref<160x128xi32, #tpu.memory_space<hbm>>
      tpu.wait_dma2 semaphore(%run_scoped3A : memref<!tpu.dma_semaphore, #tpu.memory_space<semaphore_mem>>) src(%dma_wait3A_146 : memref<160x128xi32, #tpu.memory_space<hbm>>) dst(%arg7 : memref<160x128xi32, #tpu.memory_space<vmem>>)
      tpu.yield
    }) : () -> ()
    "tpu.region"() ({
      %run_scoped3A = tpu.sem_alloc : memref<!tpu.dma_semaphore, #tpu.memory_space<semaphore_mem>>
      %dma_start3A_139 = arith.constant 0 : i32
      %dma_start3A_140 = tpu.memref_slice %arg3[%mul3A_19, %dma_start3A_139] : memref<2560x128xi32, #tpu.memory_space<hbm>> -> memref<160x128xi32, #tpu.memory_space<hbm>>
      %dma_start3A_141 = arith.constant 0 : i32
      %dma_start3A_142 = tpu.memref_slice %arg3[%mul3A_19, %dma_start3A_141] : memref<2560x128xi32, #tpu.memory_space<hbm>> -> memref<160x128xi32, #tpu.memory_space<hbm>>
      tpu.enqueue_dma source(%dma_start3A_142 : memref<160x128xi32, #tpu.memory_space<hbm>>) target(%arg8 : memref<160x128xi32, #tpu.memory_space<vmem>>) target_semaphore(%run_scoped3A : memref<!tpu.dma_semaphore, #tpu.memory_space<semaphore_mem>>)
      %dma_wait3A_143 = arith.constant 0 : i32
      %dma_wait3A_144 = tpu.memref_slice %arg3[%mul3A_19, %dma_wait3A_143] : memref<2560x128xi32, #tpu.memory_space<hbm>> -> memref<160x128xi32, #tpu.memory_space<hbm>>
      %dma_wait3A_145 = arith.constant 0 : i32
      %dma_wait3A_146 = tpu.memref_slice %arg3[%mul3A_19, %dma_wait3A_145] : memref<2560x128xi32, #tpu.memory_space<hbm>> -> memref<160x128xi32, #tpu.memory_space<hbm>>
      tpu.wait_dma2 semaphore(%run_scoped3A : memref<!tpu.dma_semaphore, #tpu.memory_space<semaphore_mem>>) src(%dma_wait3A_146 : memref<160x128xi32, #tpu.memory_space<hbm>>) dst(%arg8 : memref<160x128xi32, #tpu.memory_space<vmem>>)
      tpu.yield
    }) : () -> ()
    %barrier3A = arith.constant 0 : index
    tpu.barrier barrier_id(%barrier3A)
    %dma_start3A = arith.constant 0 : i32
    %dma_start3A_20 = arith.constant 0 : i32
    %dma_start3A_21 = tpu.memref_slice %arg7[%dma_start3A, %dma_start3A_20] : memref<160x128xi32, #tpu.memory_space<vmem>> -> memref<1x128xi32, #tpu.memory_space<vmem>>
    %dma_start3A_22 = tpu.memref_squeeze %dma_start3A_21 : memref<1x128xi32, #tpu.memory_space<vmem>> -> memref<128xi32, #tpu.memory_space<vmem>>
    %dma_start3A_23 = arith.constant 0 : i32
    %dma_start3A_24 = arith.constant 0 : i32
    %dma_start3A_25 = tpu.memref_slice %arg4[%arg0, %dma_start3A_23, %dma_start3A_24] : memref<2x10000x64xbf16, #tpu.memory_space<hbm>> -> memref<1x10000x64xbf16, #tpu.memory_space<hbm>>
    %dma_start3A_26 = tpu.memref_squeeze %dma_start3A_25 : memref<1x10000x64xbf16, #tpu.memory_space<hbm>> -> memref<10000x64xbf16, #tpu.memory_space<hbm>>
    %dma_start3A_27 = arith.constant 0 : i32
    %dma_start3A_28 = arith.constant 0 : i32
    %dma_start3A_29 = tpu.memref_slice %dma_start3A_26[%dma_start3A_27, %dma_start3A_28] : memref<10000x64xbf16, #tpu.memory_space<hbm>> -> memref<10000x64xbf16, #tpu.memory_space<hbm>>
    tpu.enqueue_indirect_dma source(%dma_start3A_29 : memref<10000x64xbf16, #tpu.memory_space<hbm>>) target(%arg9 : memref<128x64xbf16, #tpu.memory_space<vmem>>) offsets(%dma_start3A_22 : memref<128xi32, #tpu.memory_space<vmem>>) semaphore(%arg17 : memref<!tpu.dma_semaphore, #tpu.memory_space<semaphore_mem>>)
    %dma_start3A_30 = arith.constant 1 : i32
    %dma_start3A_31 = arith.constant 0 : i32
    %dma_start3A_32 = tpu.memref_slice %arg7[%dma_start3A_30, %dma_start3A_31] : memref<160x128xi32, #tpu.memory_space<vmem>> -> memref<1x128xi32, #tpu.memory_space<vmem>>
    %dma_start3A_33 = tpu.memref_squeeze %dma_start3A_32 : memref<1x128xi32, #tpu.memory_space<vmem>> -> memref<128xi32, #tpu.memory_space<vmem>>
    %dma_start3A_34 = arith.constant 0 : i32
    %dma_start3A_35 = arith.constant 0 : i32
    %dma_start3A_36 = tpu.memref_slice %arg4[%arg0, %dma_start3A_34, %dma_start3A_35] : memref<2x10000x64xbf16, #tpu.memory_space<hbm>> -> memref<1x10000x64xbf16, #tpu.memory_space<hbm>>
    %dma_start3A_37 = tpu.memref_squeeze %dma_start3A_36 : memref<1x10000x64xbf16, #tpu.memory_space<hbm>> -> memref<10000x64xbf16, #tpu.memory_space<hbm>>
    %dma_start3A_38 = arith.constant 0 : i32
    %dma_start3A_39 = arith.constant 0 : i32
    %dma_start3A_40 = tpu.memref_slice %dma_start3A_37[%dma_start3A_38, %dma_start3A_39] : memref<10000x64xbf16, #tpu.memory_space<hbm>> -> memref<10000x64xbf16, #tpu.memory_space<hbm>>
    tpu.enqueue_indirect_dma source(%dma_start3A_40 : memref<10000x64xbf16, #tpu.memory_space<hbm>>) target(%arg10 : memref<128x64xbf16, #tpu.memory_space<vmem>>) offsets(%dma_start3A_33 : memref<128xi32, #tpu.memory_space<vmem>>) semaphore(%arg18 : memref<!tpu.dma_semaphore, #tpu.memory_space<semaphore_mem>>)
    %dma_start3A_41 = arith.constant 2 : i32
    %dma_start3A_42 = arith.constant 0 : i32
    %dma_start3A_43 = tpu.memref_slice %arg7[%dma_start3A_41, %dma_start3A_42] : memref<160x128xi32, #tpu.memory_space<vmem>> -> memref<1x128xi32, #tpu.memory_space<vmem>>
    %dma_start3A_44 = tpu.memref_squeeze %dma_start3A_43 : memref<1x128xi32, #tpu.memory_space<vmem>> -> memref<128xi32, #tpu.memory_space<vmem>>
    %dma_start3A_45 = arith.constant 0 : i32
    %dma_start3A_46 = arith.constant 0 : i32
    %dma_start3A_47 = tpu.memref_slice %arg4[%arg0, %dma_start3A_45, %dma_start3A_46] : memref<2x10000x64xbf16, #tpu.memory_space<hbm>> -> memref<1x10000x64xbf16, #tpu.memory_space<hbm>>
    %dma_start3A_48 = tpu.memref_squeeze %dma_start3A_47 : memref<1x10000x64xbf16, #tpu.memory_space<hbm>> -> memref<10000x64xbf16, #tpu.memory_space<hbm>>
    %dma_start3A_49 = arith.constant 0 : i32
    %dma_start3A_50 = arith.constant 0 : i32
    %dma_start3A_51 = tpu.memref_slice %dma_start3A_48[%dma_start3A_49, %dma_start3A_50] : memref<10000x64xbf16, #tpu.memory_space<hbm>> -> memref<10000x64xbf16, #tpu.memory_space<hbm>>
    tpu.enqueue_indirect_dma source(%dma_start3A_51 : memref<10000x64xbf16, #tpu.memory_space<hbm>>) target(%arg11 : memref<128x64xbf16, #tpu.memory_space<vmem>>) offsets(%dma_start3A_44 : memref<128xi32, #tpu.memory_space<vmem>>) semaphore(%arg19 : memref<!tpu.dma_semaphore, #tpu.memory_space<semaphore_mem>>)
    %dma_start3A_52 = arith.constant 3 : i32
    %dma_start3A_53 = arith.constant 0 : i32
    %dma_start3A_54 = tpu.memref_slice %arg7[%dma_start3A_52, %dma_start3A_53] : memref<160x128xi32, #tpu.memory_space<vmem>> -> memref<1x128xi32, #tpu.memory_space<vmem>>
    %dma_start3A_55 = tpu.memref_squeeze %dma_start3A_54 : memref<1x128xi32, #tpu.memory_space<vmem>> -> memref<128xi32, #tpu.memory_space<vmem>>
    %dma_start3A_56 = arith.constant 0 : i32
    %dma_start3A_57 = arith.constant 0 : i32
    %dma_start3A_58 = tpu.memref_slice %arg4[%arg0, %dma_start3A_56, %dma_start3A_57] : memref<2x10000x64xbf16, #tpu.memory_space<hbm>> -> memref<1x10000x64xbf16, #tpu.memory_space<hbm>>
    %dma_start3A_59 = tpu.memref_squeeze %dma_start3A_58 : memref<1x10000x64xbf16, #tpu.memory_space<hbm>> -> memref<10000x64xbf16, #tpu.memory_space<hbm>>
    %dma_start3A_60 = arith.constant 0 : i32
    %dma_start3A_61 = arith.constant 0 : i32
    %dma_start3A_62 = tpu.memref_slice %dma_start3A_59[%dma_start3A_60, %dma_start3A_61] : memref<10000x64xbf16, #tpu.memory_space<hbm>> -> memref<10000x64xbf16, #tpu.memory_space<hbm>>
    tpu.enqueue_indirect_dma source(%dma_start3A_62 : memref<10000x64xbf16, #tpu.memory_space<hbm>>) target(%arg12 : memref<128x64xbf16, #tpu.memory_space<vmem>>) offsets(%dma_start3A_55 : memref<128xi32, #tpu.memory_space<vmem>>) semaphore(%arg20 : memref<!tpu.dma_semaphore, #tpu.memory_space<semaphore_mem>>)
    %dma_start3A_63 = arith.constant 4 : i32
    %dma_start3A_64 = arith.constant 0 : i32
    %dma_start3A_65 = tpu.memref_slice %arg7[%dma_start3A_63, %dma_start3A_64] : memref<160x128xi32, #tpu.memory_space<vmem>> -> memref<1x128xi32, #tpu.memory_space<vmem>>
    %dma_start3A_66 = tpu.memref_squeeze %dma_start3A_65 : memref<1x128xi32, #tpu.memory_space<vmem>> -> memref<128xi32, #tpu.memory_space<vmem>>
    %dma_start3A_67 = arith.constant 0 : i32
    %dma_start3A_68 = arith.constant 0 : i32
    %dma_start3A_69 = tpu.memref_slice %arg4[%arg0, %dma_start3A_67, %dma_start3A_68] : memref<2x10000x64xbf16, #tpu.memory_space<hbm>> -> memref<1x10000x64xbf16, #tpu.memory_space<hbm>>
    %dma_start3A_70 = tpu.memref_squeeze %dma_start3A_69 : memref<1x10000x64xbf16, #tpu.memory_space<hbm>> -> memref<10000x64xbf16, #tpu.memory_space<hbm>>
    %dma_start3A_71 = arith.constant 0 : i32
    %dma_start3A_72 = arith.constant 0 : i32
    %dma_start3A_73 = tpu.memref_slice %dma_start3A_70[%dma_start3A_71, %dma_start3A_72] : memref<10000x64xbf16, #tpu.memory_space<hbm>> -> memref<10000x64xbf16, #tpu.memory_space<hbm>>
    tpu.enqueue_indirect_dma source(%dma_start3A_73 : memref<10000x64xbf16, #tpu.memory_space<hbm>>) target(%arg13 : memref<128x64xbf16, #tpu.memory_space<vmem>>) offsets(%dma_start3A_66 : memref<128xi32, #tpu.memory_space<vmem>>) semaphore(%arg21 : memref<!tpu.dma_semaphore, #tpu.memory_space<semaphore_mem>>)
    %dma_start3A_74 = arith.constant 5 : i32
    %dma_start3A_75 = arith.constant 0 : i32
    %dma_start3A_76 = tpu.memref_slice %arg7[%dma_start3A_74, %dma_start3A_75] : memref<160x128xi32, #tpu.memory_space<vmem>> -> memref<1x128xi32, #tpu.memory_space<vmem>>
    %dma_start3A_77 = tpu.memref_squeeze %dma_start3A_76 : memref<1x128xi32, #tpu.memory_space<vmem>> -> memref<128xi32, #tpu.memory_space<vmem>>
    %dma_start3A_78 = arith.constant 0 : i32
    %dma_start3A_79 = arith.constant 0 : i32
    %dma_start3A_80 = tpu.memref_slice %arg4[%arg0, %dma_start3A_78, %dma_start3A_79] : memref<2x10000x64xbf16, #tpu.memory_space<hbm>> -> memref<1x10000x64xbf16, #tpu.memory_space<hbm>>
    %dma_start3A_81 = tpu.memref_squeeze %dma_start3A_80 : memref<1x10000x64xbf16, #tpu.memory_space<hbm>> -> memref<10000x64xbf16, #tpu.memory_space<hbm>>
    %dma_start3A_82 = arith.constant 0 : i32
    %dma_start3A_83 = arith.constant 0 : i32
    %dma_start3A_84 = tpu.memref_slice %dma_start3A_81[%dma_start3A_82, %dma_start3A_83] : memref<10000x64xbf16, #tpu.memory_space<hbm>> -> memref<10000x64xbf16, #tpu.memory_space<hbm>>
    tpu.enqueue_indirect_dma source(%dma_start3A_84 : memref<10000x64xbf16, #tpu.memory_space<hbm>>) target(%arg14 : memref<128x64xbf16, #tpu.memory_space<vmem>>) offsets(%dma_start3A_77 : memref<128xi32, #tpu.memory_space<vmem>>) semaphore(%arg22 : memref<!tpu.dma_semaphore, #tpu.memory_space<semaphore_mem>>)
    %dma_start3A_85 = arith.constant 6 : i32
    %dma_start3A_86 = arith.constant 0 : i32
    %dma_start3A_87 = tpu.memref_slice %arg7[%dma_start3A_85, %dma_start3A_86] : memref<160x128xi32, #tpu.memory_space<vmem>> -> memref<1x128xi32, #tpu.memory_space<vmem>>
    %dma_start3A_88 = tpu.memref_squeeze %dma_start3A_87 : memref<1x128xi32, #tpu.memory_space<vmem>> -> memref<128xi32, #tpu.memory_space<vmem>>
    %dma_start3A_89 = arith.constant 0 : i32
    %dma_start3A_90 = arith.constant 0 : i32
    %dma_start3A_91 = tpu.memref_slice %arg4[%arg0, %dma_start3A_89, %dma_start3A_90] : memref<2x10000x64xbf16, #tpu.memory_space<hbm>> -> memref<1x10000x64xbf16, #tpu.memory_space<hbm>>
    %dma_start3A_92 = tpu.memref_squeeze %dma_start3A_91 : memref<1x10000x64xbf16, #tpu.memory_space<hbm>> -> memref<10000x64xbf16, #tpu.memory_space<hbm>>
    %dma_start3A_93 = arith.constant 0 : i32
    %dma_start3A_94 = arith.constant 0 : i32
    %dma_start3A_95 = tpu.memref_slice %dma_start3A_92[%dma_start3A_93, %dma_start3A_94] : memref<10000x64xbf16, #tpu.memory_space<hbm>> -> memref<10000x64xbf16, #tpu.memory_space<hbm>>
    tpu.enqueue_indirect_dma source(%dma_start3A_95 : memref<10000x64xbf16, #tpu.memory_space<hbm>>) target(%arg15 : memref<128x64xbf16, #tpu.memory_space<vmem>>) offsets(%dma_start3A_88 : memref<128xi32, #tpu.memory_space<vmem>>) semaphore(%arg23 : memref<!tpu.dma_semaphore, #tpu.memory_space<semaphore_mem>>)
    %dma_start3A_96 = arith.constant 7 : i32
    %dma_start3A_97 = arith.constant 0 : i32
    %dma_start3A_98 = tpu.memref_slice %arg7[%dma_start3A_96, %dma_start3A_97] : memref<160x128xi32, #tpu.memory_space<vmem>> -> memref<1x128xi32, #tpu.memory_space<vmem>>
    %dma_start3A_99 = tpu.memref_squeeze %dma_start3A_98 : memref<1x128xi32, #tpu.memory_space<vmem>> -> memref<128xi32, #tpu.memory_space<vmem>>
    %dma_start3A_100 = arith.constant 0 : i32
    %dma_start3A_101 = arith.constant 0 : i32
    %dma_start3A_102 = tpu.memref_slice %arg4[%arg0, %dma_start3A_100, %dma_start3A_101] : memref<2x10000x64xbf16, #tpu.memory_space<hbm>> -> memref<1x10000x64xbf16, #tpu.memory_space<hbm>>
    %dma_start3A_103 = tpu.memref_squeeze %dma_start3A_102 : memref<1x10000x64xbf16, #tpu.memory_space<hbm>> -> memref<10000x64xbf16, #tpu.memory_space<hbm>>
    %dma_start3A_104 = arith.constant 0 : i32
    %dma_start3A_105 = arith.constant 0 : i32
    %dma_start3A_106 = tpu.memref_slice %dma_start3A_103[%dma_start3A_104, %dma_start3A_105] : memref<10000x64xbf16, #tpu.memory_space<hbm>> -> memref<10000x64xbf16, #tpu.memory_space<hbm>>
    tpu.enqueue_indirect_dma source(%dma_start3A_106 : memref<10000x64xbf16, #tpu.memory_space<hbm>>) target(%arg16 : memref<128x64xbf16, #tpu.memory_space<vmem>>) offsets(%dma_start3A_99 : memref<128xi32, #tpu.memory_space<vmem>>) semaphore(%arg24 : memref<!tpu.dma_semaphore, #tpu.memory_space<semaphore_mem>>)
    %scan3A = arith.constant 0 : i32
    %scan3A_107 = arith.constant 0 : i32
    %scan3A_108 = arith.constant 20 : i32
    %scan3A_109 = arith.addi %scan3A_107, %scan3A_108 : i32
    %scan3A_110 = arith.constant 1 : i32
    scf.for %scan3A_139 = %scan3A_107 to %scan3A_109 step %scan3A_110  : i32 {
      %mul3A_140 = arith.constant 8 : i32
      %mul3A_141 = arith.muli %scan3A_139, %mul3A_140 : i32
      %add3A_142 = arith.constant 0 : i32
      %add3A_143 = arith.addi %mul3A_141, %add3A_142 : i32
      %dma_wait3A_144 = arith.constant 0 : i32
      %dma_wait3A_145 = tpu.memref_slice %arg7[%add3A_143, %dma_wait3A_144] : memref<160x128xi32, #tpu.memory_space<vmem>> -> memref<1x128xi32, #tpu.memory_space<vmem>>
      %dma_wait3A_146 = tpu.memref_squeeze %dma_wait3A_145 : memref<1x128xi32, #tpu.memory_space<vmem>> -> memref<128xi32, #tpu.memory_space<vmem>>
      %dma_wait3A_147 = arith.constant 0 : i32
      %dma_wait3A_148 = arith.constant 0 : i32
      %dma_wait3A_149 = tpu.memref_slice %arg4[%arg0, %dma_wait3A_147, %dma_wait3A_148] : memref<2x10000x64xbf16, #tpu.memory_space<hbm>> -> memref<1x10000x64xbf16, #tpu.memory_space<hbm>>
      %dma_wait3A_150 = tpu.memref_squeeze %dma_wait3A_149 : memref<1x10000x64xbf16, #tpu.memory_space<hbm>> -> memref<10000x64xbf16, #tpu.memory_space<hbm>>
      %dma_wait3A_151 = arith.constant 0 : i32
      %dma_wait3A_152 = arith.constant 0 : i32
      %dma_wait3A_153 = tpu.memref_slice %dma_wait3A_150[%dma_wait3A_151, %dma_wait3A_152] : memref<10000x64xbf16, #tpu.memory_space<hbm>> -> memref<10000x64xbf16, #tpu.memory_space<hbm>>
      tpu.wait_indirect_dma semaphore(%arg17 : memref<!tpu.dma_semaphore, #tpu.memory_space<semaphore_mem>>) src(%dma_wait3A_153 : memref<10000x64xbf16, #tpu.memory_space<hbm>>) dst(%arg9 : memref<128x64xbf16, #tpu.memory_space<vmem>>)
      %dma_start3A_154 = arith.constant 0 : i32
      %dma_start3A_155 = tpu.memref_slice %arg8[%add3A_143, %dma_start3A_154] : memref<160x128xi32, #tpu.memory_space<vmem>> -> memref<1x128xi32, #tpu.memory_space<vmem>>
      %dma_start3A_156 = tpu.memref_squeeze %dma_start3A_155 : memref<1x128xi32, #tpu.memory_space<vmem>> -> memref<128xi32, #tpu.memory_space<vmem>>
      %dma_start3A_157 = arith.constant 0 : i32
      %dma_start3A_158 = arith.constant 0 : i32
      %dma_start3A_159 = tpu.memref_slice %arg33[%dma_start3A_157, %dma_start3A_158] : memref<10240x64xbf16, #tpu.memory_space<vmem_shared>> -> memref<10240x64xbf16, #tpu.memory_space<vmem_shared>>
      tpu.enqueue_indirect_dma source(%arg9 : memref<128x64xbf16, #tpu.memory_space<vmem>>) target(%dma_start3A_159 : memref<10240x64xbf16, #tpu.memory_space<vmem_shared>>) offsets(%dma_start3A_156 : memref<128xi32, #tpu.memory_space<vmem>>) semaphore(%arg25 : memref<!tpu.dma_semaphore, #tpu.memory_space<semaphore_mem>>) {add = true}
      %ge3A = arith.constant 1 : i32
      %ge3A_160 = arith.cmpi sge, %scan3A_139, %ge3A : i32
      %convert_element_type3A = arith.extui %ge3A_160 : i1 to i32
      %cond3A = arith.constant 0 : i32
      %cond3A_161 = arith.cmpi ne, %convert_element_type3A, %cond3A : i32
      scf.if %cond3A_161 {
        %dma_wait3A_405 = arith.constant 0 : i32
        %dma_wait3A_406 = tpu.memref_slice %arg8[%add3A_143, %dma_wait3A_405] : memref<160x128xi32, #tpu.memory_space<vmem>> -> memref<1x128xi32, #tpu.memory_space<vmem>>
        %dma_wait3A_407 = tpu.memref_squeeze %dma_wait3A_406 : memref<1x128xi32, #tpu.memory_space<vmem>> -> memref<128xi32, #tpu.memory_space<vmem>>
        %dma_wait3A_408 = arith.constant 0 : i32
        %dma_wait3A_409 = arith.constant 0 : i32
        %dma_wait3A_410 = tpu.memref_slice %arg33[%dma_wait3A_408, %dma_wait3A_409] : memref<10240x64xbf16, #tpu.memory_space<vmem_shared>> -> memref<10240x64xbf16, #tpu.memory_space<vmem_shared>>
        tpu.wait_indirect_dma semaphore(%arg32 : memref<!tpu.dma_semaphore, #tpu.memory_space<semaphore_mem>>) src(%arg16 : memref<128x64xbf16, #tpu.memory_space<vmem>>) dst(%dma_wait3A_410 : memref<10240x64xbf16, #tpu.memory_space<vmem_shared>>)
        %sub3A_411 = arith.constant 1 : i32
        %sub3A_412 = arith.subi %add3A_143, %sub3A_411 : i32
        %add3A_413 = arith.constant 8 : i32
        %add3A_414 = arith.addi %sub3A_412, %add3A_413 : i32
        %lt3A_415 = arith.constant 160 : i32
        %lt3A_416 = arith.cmpi slt, %add3A_414, %lt3A_415 : i32
        %convert_element_type3A_417 = arith.extui %lt3A_416 : i1 to i32
        %cond3A_418 = arith.constant 0 : i32
        %cond3A_419 = arith.cmpi ne, %convert_element_type3A_417, %cond3A_418 : i32
        scf.if %cond3A_419 {
          %sub3A_420 = arith.constant 1 : i32
          %sub3A_421 = arith.subi %add3A_143, %sub3A_420 : i32
          %add3A_422 = arith.constant 8 : i32
          %add3A_423 = arith.addi %sub3A_421, %add3A_422 : i32
          %dma_start3A_424 = arith.constant 0 : i32
          %dma_start3A_425 = tpu.memref_slice %arg7[%add3A_423, %dma_start3A_424] : memref<160x128xi32, #tpu.memory_space<vmem>> -> memref<1x128xi32, #tpu.memory_space<vmem>>
          %dma_start3A_426 = tpu.memref_squeeze %dma_start3A_425 : memref<1x128xi32, #tpu.memory_space<vmem>> -> memref<128xi32, #tpu.memory_space<vmem>>
          %dma_start3A_427 = arith.constant 0 : i32
          %dma_start3A_428 = arith.constant 0 : i32
          %dma_start3A_429 = tpu.memref_slice %arg4[%arg0, %dma_start3A_427, %dma_start3A_428] : memref<2x10000x64xbf16, #tpu.memory_space<hbm>> -> memref<1x10000x64xbf16, #tpu.memory_space<hbm>>
          %dma_start3A_430 = tpu.memref_squeeze %dma_start3A_429 : memref<1x10000x64xbf16, #tpu.memory_space<hbm>> -> memref<10000x64xbf16, #tpu.memory_space<hbm>>
          %dma_start3A_431 = arith.constant 0 : i32
          %dma_start3A_432 = arith.constant 0 : i32
          %dma_start3A_433 = tpu.memref_slice %dma_start3A_430[%dma_start3A_431, %dma_start3A_432] : memref<10000x64xbf16, #tpu.memory_space<hbm>> -> memref<10000x64xbf16, #tpu.memory_space<hbm>>
          tpu.enqueue_indirect_dma source(%dma_start3A_433 : memref<10000x64xbf16, #tpu.memory_space<hbm>>) target(%arg16 : memref<128x64xbf16, #tpu.memory_space<vmem>>) offsets(%dma_start3A_426 : memref<128xi32, #tpu.memory_space<vmem>>) semaphore(%arg24 : memref<!tpu.dma_semaphore, #tpu.memory_space<semaphore_mem>>)
        } else {
        }
      } else {
      }
      %mul3A_162 = arith.constant 8 : i32
      %mul3A_163 = arith.muli %scan3A_139, %mul3A_162 : i32
      %add3A_164 = arith.constant 1 : i32
      %add3A_165 = arith.addi %mul3A_163, %add3A_164 : i32
      %dma_wait3A_166 = arith.constant 0 : i32
      %dma_wait3A_167 = tpu.memref_slice %arg7[%add3A_165, %dma_wait3A_166] : memref<160x128xi32, #tpu.memory_space<vmem>> -> memref<1x128xi32, #tpu.memory_space<vmem>>
      %dma_wait3A_168 = tpu.memref_squeeze %dma_wait3A_167 : memref<1x128xi32, #tpu.memory_space<vmem>> -> memref<128xi32, #tpu.memory_space<vmem>>
      %dma_wait3A_169 = arith.constant 0 : i32
      %dma_wait3A_170 = arith.constant 0 : i32
      %dma_wait3A_171 = tpu.memref_slice %arg4[%arg0, %dma_wait3A_169, %dma_wait3A_170] : memref<2x10000x64xbf16, #tpu.memory_space<hbm>> -> memref<1x10000x64xbf16, #tpu.memory_space<hbm>>
      %dma_wait3A_172 = tpu.memref_squeeze %dma_wait3A_171 : memref<1x10000x64xbf16, #tpu.memory_space<hbm>> -> memref<10000x64xbf16, #tpu.memory_space<hbm>>
      %dma_wait3A_173 = arith.constant 0 : i32
      %dma_wait3A_174 = arith.constant 0 : i32
      %dma_wait3A_175 = tpu.memref_slice %dma_wait3A_172[%dma_wait3A_173, %dma_wait3A_174] : memref<10000x64xbf16, #tpu.memory_space<hbm>> -> memref<10000x64xbf16, #tpu.memory_space<hbm>>
      tpu.wait_indirect_dma semaphore(%arg18 : memref<!tpu.dma_semaphore, #tpu.memory_space<semaphore_mem>>) src(%dma_wait3A_175 : memref<10000x64xbf16, #tpu.memory_space<hbm>>) dst(%arg10 : memref<128x64xbf16, #tpu.memory_space<vmem>>)
      %dma_start3A_176 = arith.constant 0 : i32
      %dma_start3A_177 = tpu.memref_slice %arg8[%add3A_165, %dma_start3A_176] : memref<160x128xi32, #tpu.memory_space<vmem>> -> memref<1x128xi32, #tpu.memory_space<vmem>>
      %dma_start3A_178 = tpu.memref_squeeze %dma_start3A_177 : memref<1x128xi32, #tpu.memory_space<vmem>> -> memref<128xi32, #tpu.memory_space<vmem>>
      %dma_start3A_179 = arith.constant 0 : i32
      %dma_start3A_180 = arith.constant 0 : i32
      %dma_start3A_181 = tpu.memref_slice %arg33[%dma_start3A_179, %dma_start3A_180] : memref<10240x64xbf16, #tpu.memory_space<vmem_shared>> -> memref<10240x64xbf16, #tpu.memory_space<vmem_shared>>
      tpu.enqueue_indirect_dma source(%arg10 : memref<128x64xbf16, #tpu.memory_space<vmem>>) target(%dma_start3A_181 : memref<10240x64xbf16, #tpu.memory_space<vmem_shared>>) offsets(%dma_start3A_178 : memref<128xi32, #tpu.memory_space<vmem>>) semaphore(%arg26 : memref<!tpu.dma_semaphore, #tpu.memory_space<semaphore_mem>>) {add = true}
      %dma_wait3A_182 = arith.constant 0 : i32
      %dma_wait3A_183 = tpu.memref_slice %arg8[%add3A_165, %dma_wait3A_182] : memref<160x128xi32, #tpu.memory_space<vmem>> -> memref<1x128xi32, #tpu.memory_space<vmem>>
      %dma_wait3A_184 = tpu.memref_squeeze %dma_wait3A_183 : memref<1x128xi32, #tpu.memory_space<vmem>> -> memref<128xi32, #tpu.memory_space<vmem>>
      %dma_wait3A_185 = arith.constant 0 : i32
      %dma_wait3A_186 = arith.constant 0 : i32
      %dma_wait3A_187 = tpu.memref_slice %arg33[%dma_wait3A_185, %dma_wait3A_186] : memref<10240x64xbf16, #tpu.memory_space<vmem_shared>> -> memref<10240x64xbf16, #tpu.memory_space<vmem_shared>>
      tpu.wait_indirect_dma semaphore(%arg25 : memref<!tpu.dma_semaphore, #tpu.memory_space<semaphore_mem>>) src(%arg9 : memref<128x64xbf16, #tpu.memory_space<vmem>>) dst(%dma_wait3A_187 : memref<10240x64xbf16, #tpu.memory_space<vmem_shared>>)
      %sub3A = arith.constant 1 : i32
      %sub3A_188 = arith.subi %add3A_165, %sub3A : i32
      %add3A_189 = arith.constant 8 : i32
      %add3A_190 = arith.addi %sub3A_188, %add3A_189 : i32
      %lt3A = arith.constant 160 : i32
      %lt3A_191 = arith.cmpi slt, %add3A_190, %lt3A : i32
      %convert_element_type3A_192 = arith.extui %lt3A_191 : i1 to i32
      %cond3A_193 = arith.constant 0 : i32
      %cond3A_194 = arith.cmpi ne, %convert_element_type3A_192, %cond3A_193 : i32
      scf.if %cond3A_194 {
        %sub3A_405 = arith.constant 1 : i32
        %sub3A_406 = arith.subi %add3A_165, %sub3A_405 : i32
        %add3A_407 = arith.constant 8 : i32
        %add3A_408 = arith.addi %sub3A_406, %add3A_407 : i32
        %dma_start3A_409 = arith.constant 0 : i32
        %dma_start3A_410 = tpu.memref_slice %arg7[%add3A_408, %dma_start3A_409] : memref<160x128xi32, #tpu.memory_space<vmem>> -> memref<1x128xi32, #tpu.memory_space<vmem>>
        %dma_start3A_411 = tpu.memref_squeeze %dma_start3A_410 : memref<1x128xi32, #tpu.memory_space<vmem>> -> memref<128xi32, #tpu.memory_space<vmem>>
        %dma_start3A_412 = arith.constant 0 : i32
        %dma_start3A_413 = arith.constant 0 : i32
        %dma_start3A_414 = tpu.memref_slice %arg4[%arg0, %dma_start3A_412, %dma_start3A_413] : memref<2x10000x64xbf16, #tpu.memory_space<hbm>> -> memref<1x10000x64xbf16, #tpu.memory_space<hbm>>
        %dma_start3A_415 = tpu.memref_squeeze %dma_start3A_414 : memref<1x10000x64xbf16, #tpu.memory_space<hbm>> -> memref<10000x64xbf16, #tpu.memory_space<hbm>>
        %dma_start3A_416 = arith.constant 0 : i32
        %dma_start3A_417 = arith.constant 0 : i32
        %dma_start3A_418 = tpu.memref_slice %dma_start3A_415[%dma_start3A_416, %dma_start3A_417] : memref<10000x64xbf16, #tpu.memory_space<hbm>> -> memref<10000x64xbf16, #tpu.memory_space<hbm>>
        tpu.enqueue_indirect_dma source(%dma_start3A_418 : memref<10000x64xbf16, #tpu.memory_space<hbm>>) target(%arg9 : memref<128x64xbf16, #tpu.memory_space<vmem>>) offsets(%dma_start3A_411 : memref<128xi32, #tpu.memory_space<vmem>>) semaphore(%arg17 : memref<!tpu.dma_semaphore, #tpu.memory_space<semaphore_mem>>)
      } else {
      }
      %mul3A_195 = arith.constant 8 : i32
      %mul3A_196 = arith.muli %scan3A_139, %mul3A_195 : i32
      %add3A_197 = arith.constant 2 : i32
      %add3A_198 = arith.addi %mul3A_196, %add3A_197 : i32
      %dma_wait3A_199 = arith.constant 0 : i32
      %dma_wait3A_200 = tpu.memref_slice %arg7[%add3A_198, %dma_wait3A_199] : memref<160x128xi32, #tpu.memory_space<vmem>> -> memref<1x128xi32, #tpu.memory_space<vmem>>
      %dma_wait3A_201 = tpu.memref_squeeze %dma_wait3A_200 : memref<1x128xi32, #tpu.memory_space<vmem>> -> memref<128xi32, #tpu.memory_space<vmem>>
      %dma_wait3A_202 = arith.constant 0 : i32
      %dma_wait3A_203 = arith.constant 0 : i32
      %dma_wait3A_204 = tpu.memref_slice %arg4[%arg0, %dma_wait3A_202, %dma_wait3A_203] : memref<2x10000x64xbf16, #tpu.memory_space<hbm>> -> memref<1x10000x64xbf16, #tpu.memory_space<hbm>>
      %dma_wait3A_205 = tpu.memref_squeeze %dma_wait3A_204 : memref<1x10000x64xbf16, #tpu.memory_space<hbm>> -> memref<10000x64xbf16, #tpu.memory_space<hbm>>
      %dma_wait3A_206 = arith.constant 0 : i32
      %dma_wait3A_207 = arith.constant 0 : i32
      %dma_wait3A_208 = tpu.memref_slice %dma_wait3A_205[%dma_wait3A_206, %dma_wait3A_207] : memref<10000x64xbf16, #tpu.memory_space<hbm>> -> memref<10000x64xbf16, #tpu.memory_space<hbm>>
      tpu.wait_indirect_dma semaphore(%arg19 : memref<!tpu.dma_semaphore, #tpu.memory_space<semaphore_mem>>) src(%dma_wait3A_208 : memref<10000x64xbf16, #tpu.memory_space<hbm>>) dst(%arg11 : memref<128x64xbf16, #tpu.memory_space<vmem>>)
      %dma_start3A_209 = arith.constant 0 : i32
      %dma_start3A_210 = tpu.memref_slice %arg8[%add3A_198, %dma_start3A_209] : memref<160x128xi32, #tpu.memory_space<vmem>> -> memref<1x128xi32, #tpu.memory_space<vmem>>
      %dma_start3A_211 = tpu.memref_squeeze %dma_start3A_210 : memref<1x128xi32, #tpu.memory_space<vmem>> -> memref<128xi32, #tpu.memory_space<vmem>>
      %dma_start3A_212 = arith.constant 0 : i32
      %dma_start3A_213 = arith.constant 0 : i32
      %dma_start3A_214 = tpu.memref_slice %arg33[%dma_start3A_212, %dma_start3A_213] : memref<10240x64xbf16, #tpu.memory_space<vmem_shared>> -> memref<10240x64xbf16, #tpu.memory_space<vmem_shared>>
      tpu.enqueue_indirect_dma source(%arg11 : memref<128x64xbf16, #tpu.memory_space<vmem>>) target(%dma_start3A_214 : memref<10240x64xbf16, #tpu.memory_space<vmem_shared>>) offsets(%dma_start3A_211 : memref<128xi32, #tpu.memory_space<vmem>>) semaphore(%arg27 : memref<!tpu.dma_semaphore, #tpu.memory_space<semaphore_mem>>) {add = true}
      %dma_wait3A_215 = arith.constant 0 : i32
      %dma_wait3A_216 = tpu.memref_slice %arg8[%add3A_198, %dma_wait3A_215] : memref<160x128xi32, #tpu.memory_space<vmem>> -> memref<1x128xi32, #tpu.memory_space<vmem>>
      %dma_wait3A_217 = tpu.memref_squeeze %dma_wait3A_216 : memref<1x128xi32, #tpu.memory_space<vmem>> -> memref<128xi32, #tpu.memory_space<vmem>>
      %dma_wait3A_218 = arith.constant 0 : i32
      %dma_wait3A_219 = arith.constant 0 : i32
      %dma_wait3A_220 = tpu.memref_slice %arg33[%dma_wait3A_218, %dma_wait3A_219] : memref<10240x64xbf16, #tpu.memory_space<vmem_shared>> -> memref<10240x64xbf16, #tpu.memory_space<vmem_shared>>
      tpu.wait_indirect_dma semaphore(%arg26 : memref<!tpu.dma_semaphore, #tpu.memory_space<semaphore_mem>>) src(%arg10 : memref<128x64xbf16, #tpu.memory_space<vmem>>) dst(%dma_wait3A_220 : memref<10240x64xbf16, #tpu.memory_space<vmem_shared>>)
      %sub3A_221 = arith.constant 1 : i32
      %sub3A_222 = arith.subi %add3A_198, %sub3A_221 : i32
      %add3A_223 = arith.constant 8 : i32
      %add3A_224 = arith.addi %sub3A_222, %add3A_223 : i32
      %lt3A_225 = arith.constant 160 : i32
      %lt3A_226 = arith.cmpi slt, %add3A_224, %lt3A_225 : i32
      %convert_element_type3A_227 = arith.extui %lt3A_226 : i1 to i32
      %cond3A_228 = arith.constant 0 : i32
      %cond3A_229 = arith.cmpi ne, %convert_element_type3A_227, %cond3A_228 : i32
      scf.if %cond3A_229 {
        %sub3A_405 = arith.constant 1 : i32
        %sub3A_406 = arith.subi %add3A_198, %sub3A_405 : i32
        %add3A_407 = arith.constant 8 : i32
        %add3A_408 = arith.addi %sub3A_406, %add3A_407 : i32
        %dma_start3A_409 = arith.constant 0 : i32
        %dma_start3A_410 = tpu.memref_slice %arg7[%add3A_408, %dma_start3A_409] : memref<160x128xi32, #tpu.memory_space<vmem>> -> memref<1x128xi32, #tpu.memory_space<vmem>>
        %dma_start3A_411 = tpu.memref_squeeze %dma_start3A_410 : memref<1x128xi32, #tpu.memory_space<vmem>> -> memref<128xi32, #tpu.memory_space<vmem>>
        %dma_start3A_412 = arith.constant 0 : i32
        %dma_start3A_413 = arith.constant 0 : i32
        %dma_start3A_414 = tpu.memref_slice %arg4[%arg0, %dma_start3A_412, %dma_start3A_413] : memref<2x10000x64xbf16, #tpu.memory_space<hbm>> -> memref<1x10000x64xbf16, #tpu.memory_space<hbm>>
        %dma_start3A_415 = tpu.memref_squeeze %dma_start3A_414 : memref<1x10000x64xbf16, #tpu.memory_space<hbm>> -> memref<10000x64xbf16, #tpu.memory_space<hbm>>
        %dma_start3A_416 = arith.constant 0 : i32
        %dma_start3A_417 = arith.constant 0 : i32
        %dma_start3A_418 = tpu.memref_slice %dma_start3A_415[%dma_start3A_416, %dma_start3A_417] : memref<10000x64xbf16, #tpu.memory_space<hbm>> -> memref<10000x64xbf16, #tpu.memory_space<hbm>>
        tpu.enqueue_indirect_dma source(%dma_start3A_418 : memref<10000x64xbf16, #tpu.memory_space<hbm>>) target(%arg10 : memref<128x64xbf16, #tpu.memory_space<vmem>>) offsets(%dma_start3A_411 : memref<128xi32, #tpu.memory_space<vmem>>) semaphore(%arg18 : memref<!tpu.dma_semaphore, #tpu.memory_space<semaphore_mem>>)
      } else {
      }
      %mul3A_230 = arith.constant 8 : i32
      %mul3A_231 = arith.muli %scan3A_139, %mul3A_230 : i32
      %add3A_232 = arith.constant 3 : i32
      %add3A_233 = arith.addi %mul3A_231, %add3A_232 : i32
      %dma_wait3A_234 = arith.constant 0 : i32
      %dma_wait3A_235 = tpu.memref_slice %arg7[%add3A_233, %dma_wait3A_234] : memref<160x128xi32, #tpu.memory_space<vmem>> -> memref<1x128xi32, #tpu.memory_space<vmem>>
      %dma_wait3A_236 = tpu.memref_squeeze %dma_wait3A_235 : memref<1x128xi32, #tpu.memory_space<vmem>> -> memref<128xi32, #tpu.memory_space<vmem>>
      %dma_wait3A_237 = arith.constant 0 : i32
      %dma_wait3A_238 = arith.constant 0 : i32
      %dma_wait3A_239 = tpu.memref_slice %arg4[%arg0, %dma_wait3A_237, %dma_wait3A_238] : memref<2x10000x64xbf16, #tpu.memory_space<hbm>> -> memref<1x10000x64xbf16, #tpu.memory_space<hbm>>
      %dma_wait3A_240 = tpu.memref_squeeze %dma_wait3A_239 : memref<1x10000x64xbf16, #tpu.memory_space<hbm>> -> memref<10000x64xbf16, #tpu.memory_space<hbm>>
      %dma_wait3A_241 = arith.constant 0 : i32
      %dma_wait3A_242 = arith.constant 0 : i32
      %dma_wait3A_243 = tpu.memref_slice %dma_wait3A_240[%dma_wait3A_241, %dma_wait3A_242] : memref<10000x64xbf16, #tpu.memory_space<hbm>> -> memref<10000x64xbf16, #tpu.memory_space<hbm>>
      tpu.wait_indirect_dma semaphore(%arg20 : memref<!tpu.dma_semaphore, #tpu.memory_space<semaphore_mem>>) src(%dma_wait3A_243 : memref<10000x64xbf16, #tpu.memory_space<hbm>>) dst(%arg12 : memref<128x64xbf16, #tpu.memory_space<vmem>>)
      %dma_start3A_244 = arith.constant 0 : i32
      %dma_start3A_245 = tpu.memref_slice %arg8[%add3A_233, %dma_start3A_244] : memref<160x128xi32, #tpu.memory_space<vmem>> -> memref<1x128xi32, #tpu.memory_space<vmem>>
      %dma_start3A_246 = tpu.memref_squeeze %dma_start3A_245 : memref<1x128xi32, #tpu.memory_space<vmem>> -> memref<128xi32, #tpu.memory_space<vmem>>
      %dma_start3A_247 = arith.constant 0 : i32
      %dma_start3A_248 = arith.constant 0 : i32
      %dma_start3A_249 = tpu.memref_slice %arg33[%dma_start3A_247, %dma_start3A_248] : memref<10240x64xbf16, #tpu.memory_space<vmem_shared>> -> memref<10240x64xbf16, #tpu.memory_space<vmem_shared>>
      tpu.enqueue_indirect_dma source(%arg12 : memref<128x64xbf16, #tpu.memory_space<vmem>>) target(%dma_start3A_249 : memref<10240x64xbf16, #tpu.memory_space<vmem_shared>>) offsets(%dma_start3A_246 : memref<128xi32, #tpu.memory_space<vmem>>) semaphore(%arg28 : memref<!tpu.dma_semaphore, #tpu.memory_space<semaphore_mem>>) {add = true}
      %dma_wait3A_250 = arith.constant 0 : i32
      %dma_wait3A_251 = tpu.memref_slice %arg8[%add3A_233, %dma_wait3A_250] : memref<160x128xi32, #tpu.memory_space<vmem>> -> memref<1x128xi32, #tpu.memory_space<vmem>>
      %dma_wait3A_252 = tpu.memref_squeeze %dma_wait3A_251 : memref<1x128xi32, #tpu.memory_space<vmem>> -> memref<128xi32, #tpu.memory_space<vmem>>
      %dma_wait3A_253 = arith.constant 0 : i32
      %dma_wait3A_254 = arith.constant 0 : i32
      %dma_wait3A_255 = tpu.memref_slice %arg33[%dma_wait3A_253, %dma_wait3A_254] : memref<10240x64xbf16, #tpu.memory_space<vmem_shared>> -> memref<10240x64xbf16, #tpu.memory_space<vmem_shared>>
      tpu.wait_indirect_dma semaphore(%arg27 : memref<!tpu.dma_semaphore, #tpu.memory_space<semaphore_mem>>) src(%arg11 : memref<128x64xbf16, #tpu.memory_space<vmem>>) dst(%dma_wait3A_255 : memref<10240x64xbf16, #tpu.memory_space<vmem_shared>>)
      %sub3A_256 = arith.constant 1 : i32
      %sub3A_257 = arith.subi %add3A_233, %sub3A_256 : i32
      %add3A_258 = arith.constant 8 : i32
      %add3A_259 = arith.addi %sub3A_257, %add3A_258 : i32
      %lt3A_260 = arith.constant 160 : i32
      %lt3A_261 = arith.cmpi slt, %add3A_259, %lt3A_260 : i32
      %convert_element_type3A_262 = arith.extui %lt3A_261 : i1 to i32
      %cond3A_263 = arith.constant 0 : i32
      %cond3A_264 = arith.cmpi ne, %convert_element_type3A_262, %cond3A_263 : i32
      scf.if %cond3A_264 {
        %sub3A_405 = arith.constant 1 : i32
        %sub3A_406 = arith.subi %add3A_233, %sub3A_405 : i32
        %add3A_407 = arith.constant 8 : i32
        %add3A_408 = arith.addi %sub3A_406, %add3A_407 : i32
        %dma_start3A_409 = arith.constant 0 : i32
        %dma_start3A_410 = tpu.memref_slice %arg7[%add3A_408, %dma_start3A_409] : memref<160x128xi32, #tpu.memory_space<vmem>> -> memref<1x128xi32, #tpu.memory_space<vmem>>
        %dma_start3A_411 = tpu.memref_squeeze %dma_start3A_410 : memref<1x128xi32, #tpu.memory_space<vmem>> -> memref<128xi32, #tpu.memory_space<vmem>>
        %dma_start3A_412 = arith.constant 0 : i32
        %dma_start3A_413 = arith.constant 0 : i32
        %dma_start3A_414 = tpu.memref_slice %arg4[%arg0, %dma_start3A_412, %dma_start3A_413] : memref<2x10000x64xbf16, #tpu.memory_space<hbm>> -> memref<1x10000x64xbf16, #tpu.memory_space<hbm>>
        %dma_start3A_415 = tpu.memref_squeeze %dma_start3A_414 : memref<1x10000x64xbf16, #tpu.memory_space<hbm>> -> memref<10000x64xbf16, #tpu.memory_space<hbm>>
        %dma_start3A_416 = arith.constant 0 : i32
        %dma_start3A_417 = arith.constant 0 : i32
        %dma_start3A_418 = tpu.memref_slice %dma_start3A_415[%dma_start3A_416, %dma_start3A_417] : memref<10000x64xbf16, #tpu.memory_space<hbm>> -> memref<10000x64xbf16, #tpu.memory_space<hbm>>
        tpu.enqueue_indirect_dma source(%dma_start3A_418 : memref<10000x64xbf16, #tpu.memory_space<hbm>>) target(%arg11 : memref<128x64xbf16, #tpu.memory_space<vmem>>) offsets(%dma_start3A_411 : memref<128xi32, #tpu.memory_space<vmem>>) semaphore(%arg19 : memref<!tpu.dma_semaphore, #tpu.memory_space<semaphore_mem>>)
      } else {
      }
      %mul3A_265 = arith.constant 8 : i32
      %mul3A_266 = arith.muli %scan3A_139, %mul3A_265 : i32
      %add3A_267 = arith.constant 4 : i32
      %add3A_268 = arith.addi %mul3A_266, %add3A_267 : i32
      %dma_wait3A_269 = arith.constant 0 : i32
      %dma_wait3A_270 = tpu.memref_slice %arg7[%add3A_268, %dma_wait3A_269] : memref<160x128xi32, #tpu.memory_space<vmem>> -> memref<1x128xi32, #tpu.memory_space<vmem>>
      %dma_wait3A_271 = tpu.memref_squeeze %dma_wait3A_270 : memref<1x128xi32, #tpu.memory_space<vmem>> -> memref<128xi32, #tpu.memory_space<vmem>>
      %dma_wait3A_272 = arith.constant 0 : i32
      %dma_wait3A_273 = arith.constant 0 : i32
      %dma_wait3A_274 = tpu.memref_slice %arg4[%arg0, %dma_wait3A_272, %dma_wait3A_273] : memref<2x10000x64xbf16, #tpu.memory_space<hbm>> -> memref<1x10000x64xbf16, #tpu.memory_space<hbm>>
      %dma_wait3A_275 = tpu.memref_squeeze %dma_wait3A_274 : memref<1x10000x64xbf16, #tpu.memory_space<hbm>> -> memref<10000x64xbf16, #tpu.memory_space<hbm>>
      %dma_wait3A_276 = arith.constant 0 : i32
      %dma_wait3A_277 = arith.constant 0 : i32
      %dma_wait3A_278 = tpu.memref_slice %dma_wait3A_275[%dma_wait3A_276, %dma_wait3A_277] : memref<10000x64xbf16, #tpu.memory_space<hbm>> -> memref<10000x64xbf16, #tpu.memory_space<hbm>>
      tpu.wait_indirect_dma semaphore(%arg21 : memref<!tpu.dma_semaphore, #tpu.memory_space<semaphore_mem>>) src(%dma_wait3A_278 : memref<10000x64xbf16, #tpu.memory_space<hbm>>) dst(%arg13 : memref<128x64xbf16, #tpu.memory_space<vmem>>)
      %dma_start3A_279 = arith.constant 0 : i32
      %dma_start3A_280 = tpu.memref_slice %arg8[%add3A_268, %dma_start3A_279] : memref<160x128xi32, #tpu.memory_space<vmem>> -> memref<1x128xi32, #tpu.memory_space<vmem>>
      %dma_start3A_281 = tpu.memref_squeeze %dma_start3A_280 : memref<1x128xi32, #tpu.memory_space<vmem>> -> memref<128xi32, #tpu.memory_space<vmem>>
      %dma_start3A_282 = arith.constant 0 : i32
      %dma_start3A_283 = arith.constant 0 : i32
      %dma_start3A_284 = tpu.memref_slice %arg33[%dma_start3A_282, %dma_start3A_283] : memref<10240x64xbf16, #tpu.memory_space<vmem_shared>> -> memref<10240x64xbf16, #tpu.memory_space<vmem_shared>>
      tpu.enqueue_indirect_dma source(%arg13 : memref<128x64xbf16, #tpu.memory_space<vmem>>) target(%dma_start3A_284 : memref<10240x64xbf16, #tpu.memory_space<vmem_shared>>) offsets(%dma_start3A_281 : memref<128xi32, #tpu.memory_space<vmem>>) semaphore(%arg29 : memref<!tpu.dma_semaphore, #tpu.memory_space<semaphore_mem>>) {add = true}
      %dma_wait3A_285 = arith.constant 0 : i32
      %dma_wait3A_286 = tpu.memref_slice %arg8[%add3A_268, %dma_wait3A_285] : memref<160x128xi32, #tpu.memory_space<vmem>> -> memref<1x128xi32, #tpu.memory_space<vmem>>
      %dma_wait3A_287 = tpu.memref_squeeze %dma_wait3A_286 : memref<1x128xi32, #tpu.memory_space<vmem>> -> memref<128xi32, #tpu.memory_space<vmem>>
      %dma_wait3A_288 = arith.constant 0 : i32
      %dma_wait3A_289 = arith.constant 0 : i32
      %dma_wait3A_290 = tpu.memref_slice %arg33[%dma_wait3A_288, %dma_wait3A_289] : memref<10240x64xbf16, #tpu.memory_space<vmem_shared>> -> memref<10240x64xbf16, #tpu.memory_space<vmem_shared>>
      tpu.wait_indirect_dma semaphore(%arg28 : memref<!tpu.dma_semaphore, #tpu.memory_space<semaphore_mem>>) src(%arg12 : memref<128x64xbf16, #tpu.memory_space<vmem>>) dst(%dma_wait3A_290 : memref<10240x64xbf16, #tpu.memory_space<vmem_shared>>)
      %sub3A_291 = arith.constant 1 : i32
      %sub3A_292 = arith.subi %add3A_268, %sub3A_291 : i32
      %add3A_293 = arith.constant 8 : i32
      %add3A_294 = arith.addi %sub3A_292, %add3A_293 : i32
      %lt3A_295 = arith.constant 160 : i32
      %lt3A_296 = arith.cmpi slt, %add3A_294, %lt3A_295 : i32
      %convert_element_type3A_297 = arith.extui %lt3A_296 : i1 to i32
      %cond3A_298 = arith.constant 0 : i32
      %cond3A_299 = arith.cmpi ne, %convert_element_type3A_297, %cond3A_298 : i32
      scf.if %cond3A_299 {
        %sub3A_405 = arith.constant 1 : i32
        %sub3A_406 = arith.subi %add3A_268, %sub3A_405 : i32
        %add3A_407 = arith.constant 8 : i32
        %add3A_408 = arith.addi %sub3A_406, %add3A_407 : i32
        %dma_start3A_409 = arith.constant 0 : i32
        %dma_start3A_410 = tpu.memref_slice %arg7[%add3A_408, %dma_start3A_409] : memref<160x128xi32, #tpu.memory_space<vmem>> -> memref<1x128xi32, #tpu.memory_space<vmem>>
        %dma_start3A_411 = tpu.memref_squeeze %dma_start3A_410 : memref<1x128xi32, #tpu.memory_space<vmem>> -> memref<128xi32, #tpu.memory_space<vmem>>
        %dma_start3A_412 = arith.constant 0 : i32
        %dma_start3A_413 = arith.constant 0 : i32
        %dma_start3A_414 = tpu.memref_slice %arg4[%arg0, %dma_start3A_412, %dma_start3A_413] : memref<2x10000x64xbf16, #tpu.memory_space<hbm>> -> memref<1x10000x64xbf16, #tpu.memory_space<hbm>>
        %dma_start3A_415 = tpu.memref_squeeze %dma_start3A_414 : memref<1x10000x64xbf16, #tpu.memory_space<hbm>> -> memref<10000x64xbf16, #tpu.memory_space<hbm>>
        %dma_start3A_416 = arith.constant 0 : i32
        %dma_start3A_417 = arith.constant 0 : i32
        %dma_start3A_418 = tpu.memref_slice %dma_start3A_415[%dma_start3A_416, %dma_start3A_417] : memref<10000x64xbf16, #tpu.memory_space<hbm>> -> memref<10000x64xbf16, #tpu.memory_space<hbm>>
        tpu.enqueue_indirect_dma source(%dma_start3A_418 : memref<10000x64xbf16, #tpu.memory_space<hbm>>) target(%arg12 : memref<128x64xbf16, #tpu.memory_space<vmem>>) offsets(%dma_start3A_411 : memref<128xi32, #tpu.memory_space<vmem>>) semaphore(%arg20 : memref<!tpu.dma_semaphore, #tpu.memory_space<semaphore_mem>>)
      } else {
      }
      %mul3A_300 = arith.constant 8 : i32
      %mul3A_301 = arith.muli %scan3A_139, %mul3A_300 : i32
      %add3A_302 = arith.constant 5 : i32
      %add3A_303 = arith.addi %mul3A_301, %add3A_302 : i32
      %dma_wait3A_304 = arith.constant 0 : i32
      %dma_wait3A_305 = tpu.memref_slice %arg7[%add3A_303, %dma_wait3A_304] : memref<160x128xi32, #tpu.memory_space<vmem>> -> memref<1x128xi32, #tpu.memory_space<vmem>>
      %dma_wait3A_306 = tpu.memref_squeeze %dma_wait3A_305 : memref<1x128xi32, #tpu.memory_space<vmem>> -> memref<128xi32, #tpu.memory_space<vmem>>
      %dma_wait3A_307 = arith.constant 0 : i32
      %dma_wait3A_308 = arith.constant 0 : i32
      %dma_wait3A_309 = tpu.memref_slice %arg4[%arg0, %dma_wait3A_307, %dma_wait3A_308] : memref<2x10000x64xbf16, #tpu.memory_space<hbm>> -> memref<1x10000x64xbf16, #tpu.memory_space<hbm>>
      %dma_wait3A_310 = tpu.memref_squeeze %dma_wait3A_309 : memref<1x10000x64xbf16, #tpu.memory_space<hbm>> -> memref<10000x64xbf16, #tpu.memory_space<hbm>>
      %dma_wait3A_311 = arith.constant 0 : i32
      %dma_wait3A_312 = arith.constant 0 : i32
      %dma_wait3A_313 = tpu.memref_slice %dma_wait3A_310[%dma_wait3A_311, %dma_wait3A_312] : memref<10000x64xbf16, #tpu.memory_space<hbm>> -> memref<10000x64xbf16, #tpu.memory_space<hbm>>
      tpu.wait_indirect_dma semaphore(%arg22 : memref<!tpu.dma_semaphore, #tpu.memory_space<semaphore_mem>>) src(%dma_wait3A_313 : memref<10000x64xbf16, #tpu.memory_space<hbm>>) dst(%arg14 : memref<128x64xbf16, #tpu.memory_space<vmem>>)
      %dma_start3A_314 = arith.constant 0 : i32
      %dma_start3A_315 = tpu.memref_slice %arg8[%add3A_303, %dma_start3A_314] : memref<160x128xi32, #tpu.memory_space<vmem>> -> memref<1x128xi32, #tpu.memory_space<vmem>>
      %dma_start3A_316 = tpu.memref_squeeze %dma_start3A_315 : memref<1x128xi32, #tpu.memory_space<vmem>> -> memref<128xi32, #tpu.memory_space<vmem>>
      %dma_start3A_317 = arith.constant 0 : i32
      %dma_start3A_318 = arith.constant 0 : i32
      %dma_start3A_319 = tpu.memref_slice %arg33[%dma_start3A_317, %dma_start3A_318] : memref<10240x64xbf16, #tpu.memory_space<vmem_shared>> -> memref<10240x64xbf16, #tpu.memory_space<vmem_shared>>
      tpu.enqueue_indirect_dma source(%arg14 : memref<128x64xbf16, #tpu.memory_space<vmem>>) target(%dma_start3A_319 : memref<10240x64xbf16, #tpu.memory_space<vmem_shared>>) offsets(%dma_start3A_316 : memref<128xi32, #tpu.memory_space<vmem>>) semaphore(%arg30 : memref<!tpu.dma_semaphore, #tpu.memory_space<semaphore_mem>>) {add = true}
      %dma_wait3A_320 = arith.constant 0 : i32
      %dma_wait3A_321 = tpu.memref_slice %arg8[%add3A_303, %dma_wait3A_320] : memref<160x128xi32, #tpu.memory_space<vmem>> -> memref<1x128xi32, #tpu.memory_space<vmem>>
      %dma_wait3A_322 = tpu.memref_squeeze %dma_wait3A_321 : memref<1x128xi32, #tpu.memory_space<vmem>> -> memref<128xi32, #tpu.memory_space<vmem>>
      %dma_wait3A_323 = arith.constant 0 : i32
      %dma_wait3A_324 = arith.constant 0 : i32
      %dma_wait3A_325 = tpu.memref_slice %arg33[%dma_wait3A_323, %dma_wait3A_324] : memref<10240x64xbf16, #tpu.memory_space<vmem_shared>> -> memref<10240x64xbf16, #tpu.memory_space<vmem_shared>>
      tpu.wait_indirect_dma semaphore(%arg29 : memref<!tpu.dma_semaphore, #tpu.memory_space<semaphore_mem>>) src(%arg13 : memref<128x64xbf16, #tpu.memory_space<vmem>>) dst(%dma_wait3A_325 : memref<10240x64xbf16, #tpu.memory_space<vmem_shared>>)
      %sub3A_326 = arith.constant 1 : i32
      %sub3A_327 = arith.subi %add3A_303, %sub3A_326 : i32
      %add3A_328 = arith.constant 8 : i32
      %add3A_329 = arith.addi %sub3A_327, %add3A_328 : i32
      %lt3A_330 = arith.constant 160 : i32
      %lt3A_331 = arith.cmpi slt, %add3A_329, %lt3A_330 : i32
      %convert_element_type3A_332 = arith.extui %lt3A_331 : i1 to i32
      %cond3A_333 = arith.constant 0 : i32
      %cond3A_334 = arith.cmpi ne, %convert_element_type3A_332, %cond3A_333 : i32
      scf.if %cond3A_334 {
        %sub3A_405 = arith.constant 1 : i32
        %sub3A_406 = arith.subi %add3A_303, %sub3A_405 : i32
        %add3A_407 = arith.constant 8 : i32
        %add3A_408 = arith.addi %sub3A_406, %add3A_407 : i32
        %dma_start3A_409 = arith.constant 0 : i32
        %dma_start3A_410 = tpu.memref_slice %arg7[%add3A_408, %dma_start3A_409] : memref<160x128xi32, #tpu.memory_space<vmem>> -> memref<1x128xi32, #tpu.memory_space<vmem>>
        %dma_start3A_411 = tpu.memref_squeeze %dma_start3A_410 : memref<1x128xi32, #tpu.memory_space<vmem>> -> memref<128xi32, #tpu.memory_space<vmem>>
        %dma_start3A_412 = arith.constant 0 : i32
        %dma_start3A_413 = arith.constant 0 : i32
        %dma_start3A_414 = tpu.memref_slice %arg4[%arg0, %dma_start3A_412, %dma_start3A_413] : memref<2x10000x64xbf16, #tpu.memory_space<hbm>> -> memref<1x10000x64xbf16, #tpu.memory_space<hbm>>
        %dma_start3A_415 = tpu.memref_squeeze %dma_start3A_414 : memref<1x10000x64xbf16, #tpu.memory_space<hbm>> -> memref<10000x64xbf16, #tpu.memory_space<hbm>>
        %dma_start3A_416 = arith.constant 0 : i32
        %dma_start3A_417 = arith.constant 0 : i32
        %dma_start3A_418 = tpu.memref_slice %dma_start3A_415[%dma_start3A_416, %dma_start3A_417] : memref<10000x64xbf16, #tpu.memory_space<hbm>> -> memref<10000x64xbf16, #tpu.memory_space<hbm>>
        tpu.enqueue_indirect_dma source(%dma_start3A_418 : memref<10000x64xbf16, #tpu.memory_space<hbm>>) target(%arg13 : memref<128x64xbf16, #tpu.memory_space<vmem>>) offsets(%dma_start3A_411 : memref<128xi32, #tpu.memory_space<vmem>>) semaphore(%arg21 : memref<!tpu.dma_semaphore, #tpu.memory_space<semaphore_mem>>)
      } else {
      }
      %mul3A_335 = arith.constant 8 : i32
      %mul3A_336 = arith.muli %scan3A_139, %mul3A_335 : i32
      %add3A_337 = arith.constant 6 : i32
      %add3A_338 = arith.addi %mul3A_336, %add3A_337 : i32
      %dma_wait3A_339 = arith.constant 0 : i32
      %dma_wait3A_340 = tpu.memref_slice %arg7[%add3A_338, %dma_wait3A_339] : memref<160x128xi32, #tpu.memory_space<vmem>> -> memref<1x128xi32, #tpu.memory_space<vmem>>
      %dma_wait3A_341 = tpu.memref_squeeze %dma_wait3A_340 : memref<1x128xi32, #tpu.memory_space<vmem>> -> memref<128xi32, #tpu.memory_space<vmem>>
      %dma_wait3A_342 = arith.constant 0 : i32
      %dma_wait3A_343 = arith.constant 0 : i32
      %dma_wait3A_344 = tpu.memref_slice %arg4[%arg0, %dma_wait3A_342, %dma_wait3A_343] : memref<2x10000x64xbf16, #tpu.memory_space<hbm>> -> memref<1x10000x64xbf16, #tpu.memory_space<hbm>>
      %dma_wait3A_345 = tpu.memref_squeeze %dma_wait3A_344 : memref<1x10000x64xbf16, #tpu.memory_space<hbm>> -> memref<10000x64xbf16, #tpu.memory_space<hbm>>
      %dma_wait3A_346 = arith.constant 0 : i32
      %dma_wait3A_347 = arith.constant 0 : i32
      %dma_wait3A_348 = tpu.memref_slice %dma_wait3A_345[%dma_wait3A_346, %dma_wait3A_347] : memref<10000x64xbf16, #tpu.memory_space<hbm>> -> memref<10000x64xbf16, #tpu.memory_space<hbm>>
      tpu.wait_indirect_dma semaphore(%arg23 : memref<!tpu.dma_semaphore, #tpu.memory_space<semaphore_mem>>) src(%dma_wait3A_348 : memref<10000x64xbf16, #tpu.memory_space<hbm>>) dst(%arg15 : memref<128x64xbf16, #tpu.memory_space<vmem>>)
      %dma_start3A_349 = arith.constant 0 : i32
      %dma_start3A_350 = tpu.memref_slice %arg8[%add3A_338, %dma_start3A_349] : memref<160x128xi32, #tpu.memory_space<vmem>> -> memref<1x128xi32, #tpu.memory_space<vmem>>
      %dma_start3A_351 = tpu.memref_squeeze %dma_start3A_350 : memref<1x128xi32, #tpu.memory_space<vmem>> -> memref<128xi32, #tpu.memory_space<vmem>>
      %dma_start3A_352 = arith.constant 0 : i32
      %dma_start3A_353 = arith.constant 0 : i32
      %dma_start3A_354 = tpu.memref_slice %arg33[%dma_start3A_352, %dma_start3A_353] : memref<10240x64xbf16, #tpu.memory_space<vmem_shared>> -> memref<10240x64xbf16, #tpu.memory_space<vmem_shared>>
      tpu.enqueue_indirect_dma source(%arg15 : memref<128x64xbf16, #tpu.memory_space<vmem>>) target(%dma_start3A_354 : memref<10240x64xbf16, #tpu.memory_space<vmem_shared>>) offsets(%dma_start3A_351 : memref<128xi32, #tpu.memory_space<vmem>>) semaphore(%arg31 : memref<!tpu.dma_semaphore, #tpu.memory_space<semaphore_mem>>) {add = true}
      %dma_wait3A_355 = arith.constant 0 : i32
      %dma_wait3A_356 = tpu.memref_slice %arg8[%add3A_338, %dma_wait3A_355] : memref<160x128xi32, #tpu.memory_space<vmem>> -> memref<1x128xi32, #tpu.memory_space<vmem>>
      %dma_wait3A_357 = tpu.memref_squeeze %dma_wait3A_356 : memref<1x128xi32, #tpu.memory_space<vmem>> -> memref<128xi32, #tpu.memory_space<vmem>>
      %dma_wait3A_358 = arith.constant 0 : i32
      %dma_wait3A_359 = arith.constant 0 : i32
      %dma_wait3A_360 = tpu.memref_slice %arg33[%dma_wait3A_358, %dma_wait3A_359] : memref<10240x64xbf16, #tpu.memory_space<vmem_shared>> -> memref<10240x64xbf16, #tpu.memory_space<vmem_shared>>
      tpu.wait_indirect_dma semaphore(%arg30 : memref<!tpu.dma_semaphore, #tpu.memory_space<semaphore_mem>>) src(%arg14 : memref<128x64xbf16, #tpu.memory_space<vmem>>) dst(%dma_wait3A_360 : memref<10240x64xbf16, #tpu.memory_space<vmem_shared>>)
      %sub3A_361 = arith.constant 1 : i32
      %sub3A_362 = arith.subi %add3A_338, %sub3A_361 : i32
      %add3A_363 = arith.constant 8 : i32
      %add3A_364 = arith.addi %sub3A_362, %add3A_363 : i32
      %lt3A_365 = arith.constant 160 : i32
      %lt3A_366 = arith.cmpi slt, %add3A_364, %lt3A_365 : i32
      %convert_element_type3A_367 = arith.extui %lt3A_366 : i1 to i32
      %cond3A_368 = arith.constant 0 : i32
      %cond3A_369 = arith.cmpi ne, %convert_element_type3A_367, %cond3A_368 : i32
      scf.if %cond3A_369 {
        %sub3A_405 = arith.constant 1 : i32
        %sub3A_406 = arith.subi %add3A_338, %sub3A_405 : i32
        %add3A_407 = arith.constant 8 : i32
        %add3A_408 = arith.addi %sub3A_406, %add3A_407 : i32
        %dma_start3A_409 = arith.constant 0 : i32
        %dma_start3A_410 = tpu.memref_slice %arg7[%add3A_408, %dma_start3A_409] : memref<160x128xi32, #tpu.memory_space<vmem>> -> memref<1x128xi32, #tpu.memory_space<vmem>>
        %dma_start3A_411 = tpu.memref_squeeze %dma_start3A_410 : memref<1x128xi32, #tpu.memory_space<vmem>> -> memref<128xi32, #tpu.memory_space<vmem>>
        %dma_start3A_412 = arith.constant 0 : i32
        %dma_start3A_413 = arith.constant 0 : i32
        %dma_start3A_414 = tpu.memref_slice %arg4[%arg0, %dma_start3A_412, %dma_start3A_413] : memref<2x10000x64xbf16, #tpu.memory_space<hbm>> -> memref<1x10000x64xbf16, #tpu.memory_space<hbm>>
        %dma_start3A_415 = tpu.memref_squeeze %dma_start3A_414 : memref<1x10000x64xbf16, #tpu.memory_space<hbm>> -> memref<10000x64xbf16, #tpu.memory_space<hbm>>
        %dma_start3A_416 = arith.constant 0 : i32
        %dma_start3A_417 = arith.constant 0 : i32
        %dma_start3A_418 = tpu.memref_slice %dma_start3A_415[%dma_start3A_416, %dma_start3A_417] : memref<10000x64xbf16, #tpu.memory_space<hbm>> -> memref<10000x64xbf16, #tpu.memory_space<hbm>>
        tpu.enqueue_indirect_dma source(%dma_start3A_418 : memref<10000x64xbf16, #tpu.memory_space<hbm>>) target(%arg14 : memref<128x64xbf16, #tpu.memory_space<vmem>>) offsets(%dma_start3A_411 : memref<128xi32, #tpu.memory_space<vmem>>) semaphore(%arg22 : memref<!tpu.dma_semaphore, #tpu.memory_space<semaphore_mem>>)
      } else {
      }
      %mul3A_370 = arith.constant 8 : i32
      %mul3A_371 = arith.muli %scan3A_139, %mul3A_370 : i32
      %add3A_372 = arith.constant 7 : i32
      %add3A_373 = arith.addi %mul3A_371, %add3A_372 : i32
      %dma_wait3A_374 = arith.constant 0 : i32
      %dma_wait3A_375 = tpu.memref_slice %arg7[%add3A_373, %dma_wait3A_374] : memref<160x128xi32, #tpu.memory_space<vmem>> -> memref<1x128xi32, #tpu.memory_space<vmem>>
      %dma_wait3A_376 = tpu.memref_squeeze %dma_wait3A_375 : memref<1x128xi32, #tpu.memory_space<vmem>> -> memref<128xi32, #tpu.memory_space<vmem>>
      %dma_wait3A_377 = arith.constant 0 : i32
      %dma_wait3A_378 = arith.constant 0 : i32
      %dma_wait3A_379 = tpu.memref_slice %arg4[%arg0, %dma_wait3A_377, %dma_wait3A_378] : memref<2x10000x64xbf16, #tpu.memory_space<hbm>> -> memref<1x10000x64xbf16, #tpu.memory_space<hbm>>
      %dma_wait3A_380 = tpu.memref_squeeze %dma_wait3A_379 : memref<1x10000x64xbf16, #tpu.memory_space<hbm>> -> memref<10000x64xbf16, #tpu.memory_space<hbm>>
      %dma_wait3A_381 = arith.constant 0 : i32
      %dma_wait3A_382 = arith.constant 0 : i32
      %dma_wait3A_383 = tpu.memref_slice %dma_wait3A_380[%dma_wait3A_381, %dma_wait3A_382] : memref<10000x64xbf16, #tpu.memory_space<hbm>> -> memref<10000x64xbf16, #tpu.memory_space<hbm>>
      tpu.wait_indirect_dma semaphore(%arg24 : memref<!tpu.dma_semaphore, #tpu.memory_space<semaphore_mem>>) src(%dma_wait3A_383 : memref<10000x64xbf16, #tpu.memory_space<hbm>>) dst(%arg16 : memref<128x64xbf16, #tpu.memory_space<vmem>>)
      %dma_start3A_384 = arith.constant 0 : i32
      %dma_start3A_385 = tpu.memref_slice %arg8[%add3A_373, %dma_start3A_384] : memref<160x128xi32, #tpu.memory_space<vmem>> -> memref<1x128xi32, #tpu.memory_space<vmem>>
      %dma_start3A_386 = tpu.memref_squeeze %dma_start3A_385 : memref<1x128xi32, #tpu.memory_space<vmem>> -> memref<128xi32, #tpu.memory_space<vmem>>
      %dma_start3A_387 = arith.constant 0 : i32
      %dma_start3A_388 = arith.constant 0 : i32
      %dma_start3A_389 = tpu.memref_slice %arg33[%dma_start3A_387, %dma_start3A_388] : memref<10240x64xbf16, #tpu.memory_space<vmem_shared>> -> memref<10240x64xbf16, #tpu.memory_space<vmem_shared>>
      tpu.enqueue_indirect_dma source(%arg16 : memref<128x64xbf16, #tpu.memory_space<vmem>>) target(%dma_start3A_389 : memref<10240x64xbf16, #tpu.memory_space<vmem_shared>>) offsets(%dma_start3A_386 : memref<128xi32, #tpu.memory_space<vmem>>) semaphore(%arg32 : memref<!tpu.dma_semaphore, #tpu.memory_space<semaphore_mem>>) {add = true}
      %dma_wait3A_390 = arith.constant 0 : i32
      %dma_wait3A_391 = tpu.memref_slice %arg8[%add3A_373, %dma_wait3A_390] : memref<160x128xi32, #tpu.memory_space<vmem>> -> memref<1x128xi32, #tpu.memory_space<vmem>>
      %dma_wait3A_392 = tpu.memref_squeeze %dma_wait3A_391 : memref<1x128xi32, #tpu.memory_space<vmem>> -> memref<128xi32, #tpu.memory_space<vmem>>
      %dma_wait3A_393 = arith.constant 0 : i32
      %dma_wait3A_394 = arith.constant 0 : i32
      %dma_wait3A_395 = tpu.memref_slice %arg33[%dma_wait3A_393, %dma_wait3A_394] : memref<10240x64xbf16, #tpu.memory_space<vmem_shared>> -> memref<10240x64xbf16, #tpu.memory_space<vmem_shared>>
      tpu.wait_indirect_dma semaphore(%arg31 : memref<!tpu.dma_semaphore, #tpu.memory_space<semaphore_mem>>) src(%arg15 : memref<128x64xbf16, #tpu.memory_space<vmem>>) dst(%dma_wait3A_395 : memref<10240x64xbf16, #tpu.memory_space<vmem_shared>>)
      %sub3A_396 = arith.constant 1 : i32
      %sub3A_397 = arith.subi %add3A_373, %sub3A_396 : i32
      %add3A_398 = arith.constant 8 : i32
      %add3A_399 = arith.addi %sub3A_397, %add3A_398 : i32
      %lt3A_400 = arith.constant 160 : i32
      %lt3A_401 = arith.cmpi slt, %add3A_399, %lt3A_400 : i32
      %convert_element_type3A_402 = arith.extui %lt3A_401 : i1 to i32
      %cond3A_403 = arith.constant 0 : i32
      %cond3A_404 = arith.cmpi ne, %convert_element_type3A_402, %cond3A_403 : i32
      scf.if %cond3A_404 {
        %sub3A_405 = arith.constant 1 : i32
        %sub3A_406 = arith.subi %add3A_373, %sub3A_405 : i32
        %add3A_407 = arith.constant 8 : i32
        %add3A_408 = arith.addi %sub3A_406, %add3A_407 : i32
        %dma_start3A_409 = arith.constant 0 : i32
        %dma_start3A_410 = tpu.memref_slice %arg7[%add3A_408, %dma_start3A_409] : memref<160x128xi32, #tpu.memory_space<vmem>> -> memref<1x128xi32, #tpu.memory_space<vmem>>
        %dma_start3A_411 = tpu.memref_squeeze %dma_start3A_410 : memref<1x128xi32, #tpu.memory_space<vmem>> -> memref<128xi32, #tpu.memory_space<vmem>>
        %dma_start3A_412 = arith.constant 0 : i32
        %dma_start3A_413 = arith.constant 0 : i32
        %dma_start3A_414 = tpu.memref_slice %arg4[%arg0, %dma_start3A_412, %dma_start3A_413] : memref<2x10000x64xbf16, #tpu.memory_space<hbm>> -> memref<1x10000x64xbf16, #tpu.memory_space<hbm>>
        %dma_start3A_415 = tpu.memref_squeeze %dma_start3A_414 : memref<1x10000x64xbf16, #tpu.memory_space<hbm>> -> memref<10000x64xbf16, #tpu.memory_space<hbm>>
        %dma_start3A_416 = arith.constant 0 : i32
        %dma_start3A_417 = arith.constant 0 : i32
        %dma_start3A_418 = tpu.memref_slice %dma_start3A_415[%dma_start3A_416, %dma_start3A_417] : memref<10000x64xbf16, #tpu.memory_space<hbm>> -> memref<10000x64xbf16, #tpu.memory_space<hbm>>
        tpu.enqueue_indirect_dma source(%dma_start3A_418 : memref<10000x64xbf16, #tpu.memory_space<hbm>>) target(%arg15 : memref<128x64xbf16, #tpu.memory_space<vmem>>) offsets(%dma_start3A_411 : memref<128xi32, #tpu.memory_space<vmem>>) semaphore(%arg23 : memref<!tpu.dma_semaphore, #tpu.memory_space<semaphore_mem>>)
      } else {
      }
    }
    %scan3A_111 = arith.constant 20 : i32
    %dma_wait3A = arith.constant 0 : i32
    %dma_wait3A_112 = arith.constant 0 : i32
    %dma_wait3A_113 = tpu.memref_slice %arg8[%dma_wait3A, %dma_wait3A_112] : memref<160x128xi32, #tpu.memory_space<vmem>> -> memref<1x128xi32, #tpu.memory_space<vmem>>
    %dma_wait3A_114 = tpu.memref_squeeze %dma_wait3A_113 : memref<1x128xi32, #tpu.memory_space<vmem>> -> memref<128xi32, #tpu.memory_space<vmem>>
    %dma_wait3A_115 = arith.constant 0 : i32
    %dma_wait3A_116 = arith.constant 0 : i32
    %dma_wait3A_117 = tpu.memref_slice %arg33[%dma_wait3A_115, %dma_wait3A_116] : memref<10240x64xbf16, #tpu.memory_space<vmem_shared>> -> memref<10240x64xbf16, #tpu.memory_space<vmem_shared>>
    tpu.wait_indirect_dma semaphore(%arg32 : memref<!tpu.dma_semaphore, #tpu.memory_space<semaphore_mem>>) src(%arg16 : memref<128x64xbf16, #tpu.memory_space<vmem>>) dst(%dma_wait3A_117 : memref<10240x64xbf16, #tpu.memory_space<vmem_shared>>)
    %barrier3A_118 = arith.constant 0 : index
    tpu.barrier barrier_id(%barrier3A_118)
    %mul3A_119 = arith.constant 640 : i32
    %mul3A_120 = arith.muli %arg1, %mul3A_119 : i32
    %add3A_121 = arith.constant 0 : i32
    %add3A_122 = arith.addi %mul3A_120, %add3A_121 : i32
    "tpu.region"() ({
      %run_scoped3A = tpu.sem_alloc : memref<!tpu.dma_semaphore, #tpu.memory_space<semaphore_mem>>
      %dma_start3A_139 = arith.constant 0 : i32
      %dma_start3A_140 = tpu.memref_slice %arg33[%add3A_122, %dma_start3A_139] : memref<10240x64xbf16, #tpu.memory_space<vmem_shared>> -> memref<128x64xbf16, #tpu.memory_space<vmem_shared>>
      %dma_start3A_141 = arith.constant 0 : i32
      %dma_start3A_142 = tpu.memref_slice %arg33[%add3A_122, %dma_start3A_141] : memref<10240x64xbf16, #tpu.memory_space<vmem_shared>> -> memref<128x64xbf16, #tpu.memory_space<vmem_shared>>
      tpu.enqueue_dma source(%dma_start3A_142 : memref<128x64xbf16, #tpu.memory_space<vmem_shared>>) target(%arg9 : memref<128x64xbf16, #tpu.memory_space<vmem>>) target_semaphore(%run_scoped3A : memref<!tpu.dma_semaphore, #tpu.memory_space<semaphore_mem>>)
      %dma_wait3A_143 = arith.constant 0 : i32
      %dma_wait3A_144 = tpu.memref_slice %arg33[%add3A_122, %dma_wait3A_143] : memref<10240x64xbf16, #tpu.memory_space<vmem_shared>> -> memref<128x64xbf16, #tpu.memory_space<vmem_shared>>
      %dma_wait3A_145 = arith.constant 0 : i32
      %dma_wait3A_146 = tpu.memref_slice %arg33[%add3A_122, %dma_wait3A_145] : memref<10240x64xbf16, #tpu.memory_space<vmem_shared>> -> memref<128x64xbf16, #tpu.memory_space<vmem_shared>>
      tpu.wait_dma2 semaphore(%run_scoped3A : memref<!tpu.dma_semaphore, #tpu.memory_space<semaphore_mem>>) src(%dma_wait3A_146 : memref<128x64xbf16, #tpu.memory_space<vmem_shared>>) dst(%arg9 : memref<128x64xbf16, #tpu.memory_space<vmem>>)
      tpu.yield
    }) : () -> ()
    "tpu.region"() ({
      %run_scoped3A = tpu.sem_alloc : memref<!tpu.dma_semaphore, #tpu.memory_space<semaphore_mem>>
      %dma_start3A_139 = arith.constant 0 : i32
      %dma_start3A_140 = tpu.memref_slice %arg6[%arg0, %add3A_122, %dma_start3A_139] : memref<2x10240x64xbf16, #tpu.memory_space<hbm>> -> memref<1x128x64xbf16, #tpu.memory_space<hbm>>
      %dma_start3A_141 = tpu.memref_squeeze %dma_start3A_140 : memref<1x128x64xbf16, #tpu.memory_space<hbm>> -> memref<128x64xbf16, #tpu.memory_space<hbm>>
      %dma_start3A_142 = arith.constant 0 : i32
      %dma_start3A_143 = tpu.memref_slice %arg6[%arg0, %add3A_122, %dma_start3A_142] : memref<2x10240x64xbf16, #tpu.memory_space<hbm>> -> memref<1x128x64xbf16, #tpu.memory_space<hbm>>
      %dma_start3A_144 = tpu.memref_squeeze %dma_start3A_143 : memref<1x128x64xbf16, #tpu.memory_space<hbm>> -> memref<128x64xbf16, #tpu.memory_space<hbm>>
      tpu.enqueue_dma source(%arg9 : memref<128x64xbf16, #tpu.memory_space<vmem>>) target(%dma_start3A_144 : memref<128x64xbf16, #tpu.memory_space<hbm>>) target_semaphore(%run_scoped3A : memref<!tpu.dma_semaphore, #tpu.memory_space<semaphore_mem>>)
      %dma_wait3A_145 = arith.constant 0 : i32
      %dma_wait3A_146 = tpu.memref_slice %arg6[%arg0, %add3A_122, %dma_wait3A_145] : memref<2x10240x64xbf16, #tpu.memory_space<hbm>> -> memref<1x128x64xbf16, #tpu.memory_space<hbm>>
      %dma_wait3A_147 = tpu.memref_squeeze %dma_wait3A_146 : memref<1x128x64xbf16, #tpu.memory_space<hbm>> -> memref<128x64xbf16, #tpu.memory_space<hbm>>
      %dma_wait3A_148 = arith.constant 0 : i32
      %dma_wait3A_149 = tpu.memref_slice %arg6[%arg0, %add3A_122, %dma_wait3A_148] : memref<2x10240x64xbf16, #tpu.memory_space<hbm>> -> memref<1x128x64xbf16, #tpu.memory_space<hbm>>
      %dma_wait3A_150 = tpu.memref_squeeze %dma_wait3A_149 : memref<1x128x64xbf16, #tpu.memory_space<hbm>> -> memref<128x64xbf16, #tpu.memory_space<hbm>>
      tpu.wait_dma2 semaphore(%run_scoped3A : memref<!tpu.dma_semaphore, #tpu.memory_space<semaphore_mem>>) src(%arg9 : memref<128x64xbf16, #tpu.memory_space<vmem>>) dst(%dma_wait3A_150 : memref<128x64xbf16, #tpu.memory_space<hbm>>)
      tpu.yield
    }) : () -> ()
    %mul3A_123 = arith.constant 640 : i32
    %mul3A_124 = arith.muli %arg1, %mul3A_123 : i32
    %add3A_125 = arith.constant 128 : i32
    %add3A_126 = arith.addi %mul3A_124, %add3A_125 : i32
    "tpu.region"() ({
      %run_scoped3A = tpu.sem_alloc : memref<!tpu.dma_semaphore, #tpu.memory_space<semaphore_mem>>
      %dma_start3A_139 = arith.constant 0 : i32
      %dma_start3A_140 = tpu.memref_slice %arg33[%add3A_126, %dma_start3A_139] : memref<10240x64xbf16, #tpu.memory_space<vmem_shared>> -> memref<128x64xbf16, #tpu.memory_space<vmem_shared>>
      %dma_start3A_141 = arith.constant 0 : i32
      %dma_start3A_142 = tpu.memref_slice %arg33[%add3A_126, %dma_start3A_141] : memref<10240x64xbf16, #tpu.memory_space<vmem_shared>> -> memref<128x64xbf16, #tpu.memory_space<vmem_shared>>
      tpu.enqueue_dma source(%dma_start3A_142 : memref<128x64xbf16, #tpu.memory_space<vmem_shared>>) target(%arg10 : memref<128x64xbf16, #tpu.memory_space<vmem>>) target_semaphore(%run_scoped3A : memref<!tpu.dma_semaphore, #tpu.memory_space<semaphore_mem>>)
      %dma_wait3A_143 = arith.constant 0 : i32
      %dma_wait3A_144 = tpu.memref_slice %arg33[%add3A_126, %dma_wait3A_143] : memref<10240x64xbf16, #tpu.memory_space<vmem_shared>> -> memref<128x64xbf16, #tpu.memory_space<vmem_shared>>
      %dma_wait3A_145 = arith.constant 0 : i32
      %dma_wait3A_146 = tpu.memref_slice %arg33[%add3A_126, %dma_wait3A_145] : memref<10240x64xbf16, #tpu.memory_space<vmem_shared>> -> memref<128x64xbf16, #tpu.memory_space<vmem_shared>>
      tpu.wait_dma2 semaphore(%run_scoped3A : memref<!tpu.dma_semaphore, #tpu.memory_space<semaphore_mem>>) src(%dma_wait3A_146 : memref<128x64xbf16, #tpu.memory_space<vmem_shared>>) dst(%arg10 : memref<128x64xbf16, #tpu.memory_space<vmem>>)
      tpu.yield
    }) : () -> ()
    "tpu.region"() ({
      %run_scoped3A = tpu.sem_alloc : memref<!tpu.dma_semaphore, #tpu.memory_space<semaphore_mem>>
      %dma_start3A_139 = arith.constant 0 : i32
      %dma_start3A_140 = tpu.memref_slice %arg6[%arg0, %add3A_126, %dma_start3A_139] : memref<2x10240x64xbf16, #tpu.memory_space<hbm>> -> memref<1x128x64xbf16, #tpu.memory_space<hbm>>
      %dma_start3A_141 = tpu.memref_squeeze %dma_start3A_140 : memref<1x128x64xbf16, #tpu.memory_space<hbm>> -> memref<128x64xbf16, #tpu.memory_space<hbm>>
      %dma_start3A_142 = arith.constant 0 : i32
      %dma_start3A_143 = tpu.memref_slice %arg6[%arg0, %add3A_126, %dma_start3A_142] : memref<2x10240x64xbf16, #tpu.memory_space<hbm>> -> memref<1x128x64xbf16, #tpu.memory_space<hbm>>
      %dma_start3A_144 = tpu.memref_squeeze %dma_start3A_143 : memref<1x128x64xbf16, #tpu.memory_space<hbm>> -> memref<128x64xbf16, #tpu.memory_space<hbm>>
      tpu.enqueue_dma source(%arg10 : memref<128x64xbf16, #tpu.memory_space<vmem>>) target(%dma_start3A_144 : memref<128x64xbf16, #tpu.memory_space<hbm>>) target_semaphore(%run_scoped3A : memref<!tpu.dma_semaphore, #tpu.memory_space<semaphore_mem>>)
      %dma_wait3A_145 = arith.constant 0 : i32
      %dma_wait3A_146 = tpu.memref_slice %arg6[%arg0, %add3A_126, %dma_wait3A_145] : memref<2x10240x64xbf16, #tpu.memory_space<hbm>> -> memref<1x128x64xbf16, #tpu.memory_space<hbm>>
      %dma_wait3A_147 = tpu.memref_squeeze %dma_wait3A_146 : memref<1x128x64xbf16, #tpu.memory_space<hbm>> -> memref<128x64xbf16, #tpu.memory_space<hbm>>
      %dma_wait3A_148 = arith.constant 0 : i32
      %dma_wait3A_149 = tpu.memref_slice %arg6[%arg0, %add3A_126, %dma_wait3A_148] : memref<2x10240x64xbf16, #tpu.memory_space<hbm>> -> memref<1x128x64xbf16, #tpu.memory_space<hbm>>
      %dma_wait3A_150 = tpu.memref_squeeze %dma_wait3A_149 : memref<1x128x64xbf16, #tpu.memory_space<hbm>> -> memref<128x64xbf16, #tpu.memory_space<hbm>>
      tpu.wait_dma2 semaphore(%run_scoped3A : memref<!tpu.dma_semaphore, #tpu.memory_space<semaphore_mem>>) src(%arg10 : memref<128x64xbf16, #tpu.memory_space<vmem>>) dst(%dma_wait3A_150 : memref<128x64xbf16, #tpu.memory_space<hbm>>)
      tpu.yield
    }) : () -> ()
    %mul3A_127 = arith.constant 640 : i32
    %mul3A_128 = arith.muli %arg1, %mul3A_127 : i32
    %add3A_129 = arith.constant 256 : i32
    %add3A_130 = arith.addi %mul3A_128, %add3A_129 : i32
    "tpu.region"() ({
      %run_scoped3A = tpu.sem_alloc : memref<!tpu.dma_semaphore, #tpu.memory_space<semaphore_mem>>
      %dma_start3A_139 = arith.constant 0 : i32
      %dma_start3A_140 = tpu.memref_slice %arg33[%add3A_130, %dma_start3A_139] : memref<10240x64xbf16, #tpu.memory_space<vmem_shared>> -> memref<128x64xbf16, #tpu.memory_space<vmem_shared>>
      %dma_start3A_141 = arith.constant 0 : i32
      %dma_start3A_142 = tpu.memref_slice %arg33[%add3A_130, %dma_start3A_141] : memref<10240x64xbf16, #tpu.memory_space<vmem_shared>> -> memref<128x64xbf16, #tpu.memory_space<vmem_shared>>
      tpu.enqueue_dma source(%dma_start3A_142 : memref<128x64xbf16, #tpu.memory_space<vmem_shared>>) target(%arg11 : memref<128x64xbf16, #tpu.memory_space<vmem>>) target_semaphore(%run_scoped3A : memref<!tpu.dma_semaphore, #tpu.memory_space<semaphore_mem>>)
      %dma_wait3A_143 = arith.constant 0 : i32
      %dma_wait3A_144 = tpu.memref_slice %arg33[%add3A_130, %dma_wait3A_143] : memref<10240x64xbf16, #tpu.memory_space<vmem_shared>> -> memref<128x64xbf16, #tpu.memory_space<vmem_shared>>
      %dma_wait3A_145 = arith.constant 0 : i32
      %dma_wait3A_146 = tpu.memref_slice %arg33[%add3A_130, %dma_wait3A_145] : memref<10240x64xbf16, #tpu.memory_space<vmem_shared>> -> memref<128x64xbf16, #tpu.memory_space<vmem_shared>>
      tpu.wait_dma2 semaphore(%run_scoped3A : memref<!tpu.dma_semaphore, #tpu.memory_space<semaphore_mem>>) src(%dma_wait3A_146 : memref<128x64xbf16, #tpu.memory_space<vmem_shared>>) dst(%arg11 : memref<128x64xbf16, #tpu.memory_space<vmem>>)
      tpu.yield
    }) : () -> ()
    "tpu.region"() ({
      %run_scoped3A = tpu.sem_alloc : memref<!tpu.dma_semaphore, #tpu.memory_space<semaphore_mem>>
      %dma_start3A_139 = arith.constant 0 : i32
      %dma_start3A_140 = tpu.memref_slice %arg6[%arg0, %add3A_130, %dma_start3A_139] : memref<2x10240x64xbf16, #tpu.memory_space<hbm>> -> memref<1x128x64xbf16, #tpu.memory_space<hbm>>
      %dma_start3A_141 = tpu.memref_squeeze %dma_start3A_140 : memref<1x128x64xbf16, #tpu.memory_space<hbm>> -> memref<128x64xbf16, #tpu.memory_space<hbm>>
      %dma_start3A_142 = arith.constant 0 : i32
      %dma_start3A_143 = tpu.memref_slice %arg6[%arg0, %add3A_130, %dma_start3A_142] : memref<2x10240x64xbf16, #tpu.memory_space<hbm>> -> memref<1x128x64xbf16, #tpu.memory_space<hbm>>
      %dma_start3A_144 = tpu.memref_squeeze %dma_start3A_143 : memref<1x128x64xbf16, #tpu.memory_space<hbm>> -> memref<128x64xbf16, #tpu.memory_space<hbm>>
      tpu.enqueue_dma source(%arg11 : memref<128x64xbf16, #tpu.memory_space<vmem>>) target(%dma_start3A_144 : memref<128x64xbf16, #tpu.memory_space<hbm>>) target_semaphore(%run_scoped3A : memref<!tpu.dma_semaphore, #tpu.memory_space<semaphore_mem>>)
      %dma_wait3A_145 = arith.constant 0 : i32
      %dma_wait3A_146 = tpu.memref_slice %arg6[%arg0, %add3A_130, %dma_wait3A_145] : memref<2x10240x64xbf16, #tpu.memory_space<hbm>> -> memref<1x128x64xbf16, #tpu.memory_space<hbm>>
      %dma_wait3A_147 = tpu.memref_squeeze %dma_wait3A_146 : memref<1x128x64xbf16, #tpu.memory_space<hbm>> -> memref<128x64xbf16, #tpu.memory_space<hbm>>
      %dma_wait3A_148 = arith.constant 0 : i32
      %dma_wait3A_149 = tpu.memref_slice %arg6[%arg0, %add3A_130, %dma_wait3A_148] : memref<2x10240x64xbf16, #tpu.memory_space<hbm>> -> memref<1x128x64xbf16, #tpu.memory_space<hbm>>
      %dma_wait3A_150 = tpu.memref_squeeze %dma_wait3A_149 : memref<1x128x64xbf16, #tpu.memory_space<hbm>> -> memref<128x64xbf16, #tpu.memory_space<hbm>>
      tpu.wait_dma2 semaphore(%run_scoped3A : memref<!tpu.dma_semaphore, #tpu.memory_space<semaphore_mem>>) src(%arg11 : memref<128x64xbf16, #tpu.memory_space<vmem>>) dst(%dma_wait3A_150 : memref<128x64xbf16, #tpu.memory_space<hbm>>)
      tpu.yield
    }) : () -> ()
    %mul3A_131 = arith.constant 640 : i32
    %mul3A_132 = arith.muli %arg1, %mul3A_131 : i32
    %add3A_133 = arith.constant 384 : i32
    %add3A_134 = arith.addi %mul3A_132, %add3A_133 : i32
    "tpu.region"() ({
      %run_scoped3A = tpu.sem_alloc : memref<!tpu.dma_semaphore, #tpu.memory_space<semaphore_mem>>
      %dma_start3A_139 = arith.constant 0 : i32
      %dma_start3A_140 = tpu.memref_slice %arg33[%add3A_134, %dma_start3A_139] : memref<10240x64xbf16, #tpu.memory_space<vmem_shared>> -> memref<128x64xbf16, #tpu.memory_space<vmem_shared>>
      %dma_start3A_141 = arith.constant 0 : i32
      %dma_start3A_142 = tpu.memref_slice %arg33[%add3A_134, %dma_start3A_141] : memref<10240x64xbf16, #tpu.memory_space<vmem_shared>> -> memref<128x64xbf16, #tpu.memory_space<vmem_shared>>
      tpu.enqueue_dma source(%dma_start3A_142 : memref<128x64xbf16, #tpu.memory_space<vmem_shared>>) target(%arg12 : memref<128x64xbf16, #tpu.memory_space<vmem>>) target_semaphore(%run_scoped3A : memref<!tpu.dma_semaphore, #tpu.memory_space<semaphore_mem>>)
      %dma_wait3A_143 = arith.constant 0 : i32
      %dma_wait3A_144 = tpu.memref_slice %arg33[%add3A_134, %dma_wait3A_143] : memref<10240x64xbf16, #tpu.memory_space<vmem_shared>> -> memref<128x64xbf16, #tpu.memory_space<vmem_shared>>
      %dma_wait3A_145 = arith.constant 0 : i32
      %dma_wait3A_146 = tpu.memref_slice %arg33[%add3A_134, %dma_wait3A_145] : memref<10240x64xbf16, #tpu.memory_space<vmem_shared>> -> memref<128x64xbf16, #tpu.memory_space<vmem_shared>>
      tpu.wait_dma2 semaphore(%run_scoped3A : memref<!tpu.dma_semaphore, #tpu.memory_space<semaphore_mem>>) src(%dma_wait3A_146 : memref<128x64xbf16, #tpu.memory_space<vmem_shared>>) dst(%arg12 : memref<128x64xbf16, #tpu.memory_space<vmem>>)
      tpu.yield
    }) : () -> ()
    "tpu.region"() ({
      %run_scoped3A = tpu.sem_alloc : memref<!tpu.dma_semaphore, #tpu.memory_space<semaphore_mem>>
      %dma_start3A_139 = arith.constant 0 : i32
      %dma_start3A_140 = tpu.memref_slice %arg6[%arg0, %add3A_134, %dma_start3A_139] : memref<2x10240x64xbf16, #tpu.memory_space<hbm>> -> memref<1x128x64xbf16, #tpu.memory_space<hbm>>
      %dma_start3A_141 = tpu.memref_squeeze %dma_start3A_140 : memref<1x128x64xbf16, #tpu.memory_space<hbm>> -> memref<128x64xbf16, #tpu.memory_space<hbm>>
      %dma_start3A_142 = arith.constant 0 : i32
      %dma_start3A_143 = tpu.memref_slice %arg6[%arg0, %add3A_134, %dma_start3A_142] : memref<2x10240x64xbf16, #tpu.memory_space<hbm>> -> memref<1x128x64xbf16, #tpu.memory_space<hbm>>
      %dma_start3A_144 = tpu.memref_squeeze %dma_start3A_143 : memref<1x128x64xbf16, #tpu.memory_space<hbm>> -> memref<128x64xbf16, #tpu.memory_space<hbm>>
      tpu.enqueue_dma source(%arg12 : memref<128x64xbf16, #tpu.memory_space<vmem>>) target(%dma_start3A_144 : memref<128x64xbf16, #tpu.memory_space<hbm>>) target_semaphore(%run_scoped3A : memref<!tpu.dma_semaphore, #tpu.memory_space<semaphore_mem>>)
      %dma_wait3A_145 = arith.constant 0 : i32
      %dma_wait3A_146 = tpu.memref_slice %arg6[%arg0, %add3A_134, %dma_wait3A_145] : memref<2x10240x64xbf16, #tpu.memory_space<hbm>> -> memref<1x128x64xbf16, #tpu.memory_space<hbm>>
      %dma_wait3A_147 = tpu.memref_squeeze %dma_wait3A_146 : memref<1x128x64xbf16, #tpu.memory_space<hbm>> -> memref<128x64xbf16, #tpu.memory_space<hbm>>
      %dma_wait3A_148 = arith.constant 0 : i32
      %dma_wait3A_149 = tpu.memref_slice %arg6[%arg0, %add3A_134, %dma_wait3A_148] : memref<2x10240x64xbf16, #tpu.memory_space<hbm>> -> memref<1x128x64xbf16, #tpu.memory_space<hbm>>
      %dma_wait3A_150 = tpu.memref_squeeze %dma_wait3A_149 : memref<1x128x64xbf16, #tpu.memory_space<hbm>> -> memref<128x64xbf16, #tpu.memory_space<hbm>>
      tpu.wait_dma2 semaphore(%run_scoped3A : memref<!tpu.dma_semaphore, #tpu.memory_space<semaphore_mem>>) src(%arg12 : memref<128x64xbf16, #tpu.memory_space<vmem>>) dst(%dma_wait3A_150 : memref<128x64xbf16, #tpu.memory_space<hbm>>)
      tpu.yield
    }) : () -> ()
    %mul3A_135 = arith.constant 640 : i32
    %mul3A_136 = arith.muli %arg1, %mul3A_135 : i32
    %add3A_137 = arith.constant 512 : i32
    %add3A_138 = arith.addi %mul3A_136, %add3A_137 : i32
    "tpu.region"() ({
      %run_scoped3A = tpu.sem_alloc : memref<!tpu.dma_semaphore, #tpu.memory_space<semaphore_mem>>
      %dma_start3A_139 = arith.constant 0 : i32
      %dma_start3A_140 = tpu.memref_slice %arg33[%add3A_138, %dma_start3A_139] : memref<10240x64xbf16, #tpu.memory_space<vmem_shared>> -> memref<128x64xbf16, #tpu.memory_space<vmem_shared>>
      %dma_start3A_141 = arith.constant 0 : i32
      %dma_start3A_142 = tpu.memref_slice %arg33[%add3A_138, %dma_start3A_141] : memref<10240x64xbf16, #tpu.memory_space<vmem_shared>> -> memref<128x64xbf16, #tpu.memory_space<vmem_shared>>
      tpu.enqueue_dma source(%dma_start3A_142 : memref<128x64xbf16, #tpu.memory_space<vmem_shared>>) target(%arg13 : memref<128x64xbf16, #tpu.memory_space<vmem>>) target_semaphore(%run_scoped3A : memref<!tpu.dma_semaphore, #tpu.memory_space<semaphore_mem>>)
      %dma_wait3A_143 = arith.constant 0 : i32
      %dma_wait3A_144 = tpu.memref_slice %arg33[%add3A_138, %dma_wait3A_143] : memref<10240x64xbf16, #tpu.memory_space<vmem_shared>> -> memref<128x64xbf16, #tpu.memory_space<vmem_shared>>
      %dma_wait3A_145 = arith.constant 0 : i32
      %dma_wait3A_146 = tpu.memref_slice %arg33[%add3A_138, %dma_wait3A_145] : memref<10240x64xbf16, #tpu.memory_space<vmem_shared>> -> memref<128x64xbf16, #tpu.memory_space<vmem_shared>>
      tpu.wait_dma2 semaphore(%run_scoped3A : memref<!tpu.dma_semaphore, #tpu.memory_space<semaphore_mem>>) src(%dma_wait3A_146 : memref<128x64xbf16, #tpu.memory_space<vmem_shared>>) dst(%arg13 : memref<128x64xbf16, #tpu.memory_space<vmem>>)
      tpu.yield
    }) : () -> ()
    "tpu.region"() ({
      %run_scoped3A = tpu.sem_alloc : memref<!tpu.dma_semaphore, #tpu.memory_space<semaphore_mem>>
      %dma_start3A_139 = arith.constant 0 : i32
      %dma_start3A_140 = tpu.memref_slice %arg6[%arg0, %add3A_138, %dma_start3A_139] : memref<2x10240x64xbf16, #tpu.memory_space<hbm>> -> memref<1x128x64xbf16, #tpu.memory_space<hbm>>
      %dma_start3A_141 = tpu.memref_squeeze %dma_start3A_140 : memref<1x128x64xbf16, #tpu.memory_space<hbm>> -> memref<128x64xbf16, #tpu.memory_space<hbm>>
      %dma_start3A_142 = arith.constant 0 : i32
      %dma_start3A_143 = tpu.memref_slice %arg6[%arg0, %add3A_138, %dma_start3A_142] : memref<2x10240x64xbf16, #tpu.memory_space<hbm>> -> memref<1x128x64xbf16, #tpu.memory_space<hbm>>
      %dma_start3A_144 = tpu.memref_squeeze %dma_start3A_143 : memref<1x128x64xbf16, #tpu.memory_space<hbm>> -> memref<128x64xbf16, #tpu.memory_space<hbm>>
      tpu.enqueue_dma source(%arg13 : memref<128x64xbf16, #tpu.memory_space<vmem>>) target(%dma_start3A_144 : memref<128x64xbf16, #tpu.memory_space<hbm>>) target_semaphore(%run_scoped3A : memref<!tpu.dma_semaphore, #tpu.memory_space<semaphore_mem>>)
      %dma_wait3A_145 = arith.constant 0 : i32
      %dma_wait3A_146 = tpu.memref_slice %arg6[%arg0, %add3A_138, %dma_wait3A_145] : memref<2x10240x64xbf16, #tpu.memory_space<hbm>> -> memref<1x128x64xbf16, #tpu.memory_space<hbm>>
      %dma_wait3A_147 = tpu.memref_squeeze %dma_wait3A_146 : memref<1x128x64xbf16, #tpu.memory_space<hbm>> -> memref<128x64xbf16, #tpu.memory_space<hbm>>
      %dma_wait3A_148 = arith.constant 0 : i32
      %dma_wait3A_149 = tpu.memref_slice %arg6[%arg0, %add3A_138, %dma_wait3A_148] : memref<2x10240x64xbf16, #tpu.memory_space<hbm>> -> memref<1x128x64xbf16, #tpu.memory_space<hbm>>
      %dma_wait3A_150 = tpu.memref_squeeze %dma_wait3A_149 : memref<1x128x64xbf16, #tpu.memory_space<hbm>> -> memref<128x64xbf16, #tpu.memory_space<hbm>>
      tpu.wait_dma2 semaphore(%run_scoped3A : memref<!tpu.dma_semaphore, #tpu.memory_space<semaphore_mem>>) src(%arg13 : memref<128x64xbf16, #tpu.memory_space<vmem>>) dst(%dma_wait3A_150 : memref<128x64xbf16, #tpu.memory_space<hbm>>)
      tpu.yield
    }) : () -> ()
    return
  }
}

module attributes {stable_mosaic.version = 14 : i64} {
  func.func @_tc_main_body(%arg0: i32, %arg1: i32, %arg2: memref<2x1000x64xbf16, #tpu.memory_space<vmem>>, %arg3: memref<1000x128xf32, #tpu.memory_space<vmem>>, %arg4: memref<1x128xf32, #tpu.memory_space<vmem>>, %arg5: memref<128x128xf32, #tpu.memory_space<vmem>>, %arg6: memref<1x128xf32, #tpu.memory_space<vmem>>, %arg7: memref<128x128xf32, #tpu.memory_space<vmem>>, %arg8: memref<1x128xf32, #tpu.memory_space<vmem>>, %arg9: memref<128x128xf32, #tpu.memory_space<vmem>>, %arg10: memref<1x128xf32, #tpu.memory_space<vmem>>, %arg11: memref<128x128xf32, #tpu.memory_space<vmem>>, %arg12: memref<1x128xf32, #tpu.memory_space<vmem>>, %arg13: memref<1x128xf32, #tpu.memory_space<vmem>>, %arg14: memref<1x128xf32, #tpu.memory_space<vmem>>, %arg15: memref<128x128xf32, #tpu.memory_space<vmem>>, %arg16: memref<1x128xf32, #tpu.memory_space<vmem>>, %arg17: memref<1000x128xf32, #tpu.memory_space<vmem>>, %arg18: memref<10000x128xf32, #tpu.memory_space<vmem>>, %arg19: memref<8x128xf32, #tpu.memory_space<vmem>>) attributes {dimension_semantics = [#tpu.dimension_semantics<arbitrary>, #tpu.dimension_semantics<arbitrary>], iteration_bounds = array<i64: 2, 10>, scalar_prefetch = 0 : i64, scratch_operands = 2 : i64, tpu.core_type = #tpu.core_type<tc>, window_params = [{transform_indices = @transform_0, window_bounds = array<i64: 2, 1000, 64>}, {transform_indices = @transform_1, window_bounds = array<i64: 1000, 128>}, {pipeline_mode = #tpu.pipeline_mode<synchronous>, transform_indices = @transform_2, window_bounds = array<i64: 1, 128>}, {pipeline_mode = #tpu.pipeline_mode<synchronous>, transform_indices = @transform_3, window_bounds = array<i64: 128, 128>}, {pipeline_mode = #tpu.pipeline_mode<synchronous>, transform_indices = @transform_4, window_bounds = array<i64: 1, 128>}, {pipeline_mode = #tpu.pipeline_mode<synchronous>, transform_indices = @transform_5, window_bounds = array<i64: 128, 128>}, {pipeline_mode = #tpu.pipeline_mode<synchronous>, transform_indices = @transform_6, window_bounds = array<i64: 1, 128>}, {pipeline_mode = #tpu.pipeline_mode<synchronous>, transform_indices = @transform_7, window_bounds = array<i64: 128, 128>}, {pipeline_mode = #tpu.pipeline_mode<synchronous>, transform_indices = @transform_8, window_bounds = array<i64: 1, 128>}, {pipeline_mode = #tpu.pipeline_mode<synchronous>, transform_indices = @transform_9, window_bounds = array<i64: 128, 128>}, {pipeline_mode = #tpu.pipeline_mode<synchronous>, transform_indices = @transform_10, window_bounds = array<i64: 1, 128>}, {pipeline_mode = #tpu.pipeline_mode<synchronous>, transform_indices = @transform_11, window_bounds = array<i64: 1, 128>}, {pipeline_mode = #tpu.pipeline_mode<synchronous>, transform_indices = @transform_12, window_bounds = array<i64: 1, 128>}, {pipeline_mode = #tpu.pipeline_mode<synchronous>, transform_indices = @transform_13, window_bounds = array<i64: 128, 128>}, {pipeline_mode = #tpu.pipeline_mode<synchronous>, transform_indices = @transform_14, window_bounds = array<i64: 1, 128>}, {transform_indices = @transform_15, window_bounds = array<i64: 1000, 128>}]} {
    %eq3A = arith.constant 0 : i32
    %eq3A_0 = arith.cmpi eq, %arg0, %eq3A : i32
    %convert_element_type3A = arith.extui %eq3A_0 : i1 to i32
    %cond3A = arith.constant 0 : i32
    %cond3A_1 = arith.cmpi ne, %convert_element_type3A, %cond3A : i32
    scf.if %cond3A_1 {
      %get3A = arith.constant 0 : index
      %get3A_7 = arith.constant 0 : index
      %get3A_8 = arith.constant 0 : index
      %get3A_9 = vector.load %arg2[%get3A, %get3A_7, %get3A_8] : memref<2x1000x64xbf16, #tpu.memory_space<vmem>>, vector<1x1000x64xbf16>
      %get3A_10 = vector.shape_cast %get3A_9 : vector<1x1000x64xbf16> to vector<1000x64xbf16>
      %get3A_11 = arith.constant 1 : index
      %get3A_12 = arith.constant 0 : index
      %get3A_13 = arith.constant 0 : index
      %get3A_14 = vector.load %arg2[%get3A_11, %get3A_12, %get3A_13] : memref<2x1000x64xbf16, #tpu.memory_space<vmem>>, vector<1x1000x64xbf16>
      %get3A_15 = vector.shape_cast %get3A_14 : vector<1x1000x64xbf16> to vector<1000x64xbf16>
      %concatenate3A = tpu.concatenate %get3A_10, %get3A_15 in 1 : vector<1000x64xbf16>, vector<1000x64xbf16> -> vector<1000x128xbf16>
      %convert_element_type3A_16 = arith.extf %concatenate3A : vector<1000x128xbf16> to vector<1000x128xf32>
      %get3A_17 = arith.constant 0 : index
      %get3A_18 = arith.constant 0 : index
      %get3A_19 = vector.load %arg4[%get3A_17, %get3A_18] : memref<1x128xf32, #tpu.memory_space<vmem>>, vector<1x128xf32>
      %add3A = vector.broadcast %get3A_19 : vector<1x128xf32> to vector<1000x128xf32>
      %add3A_20 = arith.addf %convert_element_type3A_16, %add3A : vector<1000x128xf32>
      %get3A_21 = arith.constant 0 : index
      %get3A_22 = arith.constant 0 : index
      %get3A_23 = vector.load %arg7[%get3A_21, %get3A_22] : memref<128x128xf32, #tpu.memory_space<vmem>>, vector<128x128xf32>
      %dot_general3A = arith.constant dense<0.000000e+00> : vector<1000x128xf32>
      %dot_general3A_24 = tpu.matmul %add3A_20, %get3A_23, %dot_general3A {dimension_numbers = #tpu.dot_dimension_numbers<[1], [0], [0], [1], [0, 0, 1, 1], [], []>, transpose_lhs_hint = false} : vector<1000x128xf32>, vector<128x128xf32>, vector<1000x128xf32> -> vector<1000x128xf32>
      %add3A_25 = arith.addf %add3A_20, %dot_general3A_24 : vector<1000x128xf32>
      %get3A_26 = arith.constant 0 : index
      %get3A_27 = arith.constant 0 : index
      %get3A_28 = vector.load %arg8[%get3A_26, %get3A_27] : memref<1x128xf32, #tpu.memory_space<vmem>>, vector<1x128xf32>
      %add3A_29 = vector.broadcast %get3A_28 : vector<1x128xf32> to vector<1000x128xf32>
      %add3A_30 = arith.addf %add3A_25, %add3A_29 : vector<1000x128xf32>
      %get3A_31 = arith.constant 0 : index
      %get3A_32 = arith.constant 0 : index
      %get3A_33 = vector.load %arg3[%get3A_31, %get3A_32] : memref<1000x128xf32, #tpu.memory_space<vmem>>, vector<1000x128xf32>
      %get3A_34 = arith.constant 0 : index
      %get3A_35 = arith.constant 0 : index
      %get3A_36 = vector.load %arg5[%get3A_34, %get3A_35] : memref<128x128xf32, #tpu.memory_space<vmem>>, vector<128x128xf32>
      %dot_general3A_37 = arith.constant dense<0.000000e+00> : vector<1000x128xf32>
      %dot_general3A_38 = tpu.matmul %get3A_33, %get3A_36, %dot_general3A_37 {dimension_numbers = #tpu.dot_dimension_numbers<[1], [0], [0], [1], [0, 0, 1, 1], [], []>, transpose_lhs_hint = false} : vector<1000x128xf32>, vector<128x128xf32>, vector<1000x128xf32> -> vector<1000x128xf32>
      %get3A_39 = arith.constant 0 : index
      %get3A_40 = arith.constant 0 : index
      %get3A_41 = vector.load %arg6[%get3A_39, %get3A_40] : memref<1x128xf32, #tpu.memory_space<vmem>>, vector<1x128xf32>
      %add3A_42 = vector.broadcast %get3A_41 : vector<1x128xf32> to vector<1000x128xf32>
      %add3A_43 = arith.addf %dot_general3A_38, %add3A_42 : vector<1000x128xf32>
      %add3A_44 = arith.addf %add3A_30, %add3A_43 : vector<1000x128xf32>
      %get3A_45 = arith.constant 0 : index
      %get3A_46 = arith.constant 0 : index
      %get3A_47 = vector.load %arg9[%get3A_45, %get3A_46] : memref<128x128xf32, #tpu.memory_space<vmem>>, vector<128x128xf32>
      %dot_general3A_48 = arith.constant dense<0.000000e+00> : vector<1000x128xf32>
      %dot_general3A_49 = tpu.matmul %add3A_43, %get3A_47, %dot_general3A_48 {dimension_numbers = #tpu.dot_dimension_numbers<[1], [0], [0], [1], [0, 0, 1, 1], [], []>, transpose_lhs_hint = false} : vector<1000x128xf32>, vector<128x128xf32>, vector<1000x128xf32> -> vector<1000x128xf32>
      %add3A_50 = arith.addf %add3A_44, %dot_general3A_49 : vector<1000x128xf32>
      %get3A_51 = arith.constant 0 : index
      %get3A_52 = arith.constant 0 : index
      %get3A_53 = vector.load %arg10[%get3A_51, %get3A_52] : memref<1x128xf32, #tpu.memory_space<vmem>>, vector<1x128xf32>
      %add3A_54 = vector.broadcast %get3A_53 : vector<1x128xf32> to vector<1000x128xf32>
      %add3A_55 = arith.addf %add3A_50, %add3A_54 : vector<1000x128xf32>
      %max3A = arith.constant 0.000000e+00 : f32
      %max3A_56 = vector.broadcast %max3A : f32 to vector<1000x128xf32>
      %max3A_57 = arith.maximumf %add3A_55, %max3A_56 : vector<1000x128xf32>
      %get3A_58 = arith.constant 0 : index
      %get3A_59 = arith.constant 0 : index
      %get3A_60 = vector.load %arg11[%get3A_58, %get3A_59] : memref<128x128xf32, #tpu.memory_space<vmem>>, vector<128x128xf32>
      %dot_general3A_61 = arith.constant dense<0.000000e+00> : vector<1000x128xf32>
      %dot_general3A_62 = tpu.matmul %max3A_57, %get3A_60, %dot_general3A_61 {dimension_numbers = #tpu.dot_dimension_numbers<[1], [0], [0], [1], [0, 0, 1, 1], [], []>, transpose_lhs_hint = false} : vector<1000x128xf32>, vector<128x128xf32>, vector<1000x128xf32> -> vector<1000x128xf32>
      %get3A_63 = arith.constant 0 : index
      %get3A_64 = arith.constant 0 : index
      %get3A_65 = vector.load %arg12[%get3A_63, %get3A_64] : memref<1x128xf32, #tpu.memory_space<vmem>>, vector<1x128xf32>
      %add3A_66 = vector.broadcast %get3A_65 : vector<1x128xf32> to vector<1000x128xf32>
      %add3A_67 = arith.addf %dot_general3A_62, %add3A_66 : vector<1000x128xf32>
      %max3A_68 = arith.constant 0.000000e+00 : f32
      %max3A_69 = vector.broadcast %max3A_68 : f32 to vector<1000x128xf32>
      %max3A_70 = arith.maximumf %add3A_67, %max3A_69 : vector<1000x128xf32>
      %mul3A = arith.constant 1000 : i32
      %mul3A_71 = arith.muli %arg1, %mul3A : i32
      %swap3A = arith.index_cast %mul3A_71 : i32 to index
      %swap3A_72 = arith.constant 0 : index
      %swap3A_73 = vector.load %arg18[%swap3A, %swap3A_72] : memref<10000x128xf32, #tpu.memory_space<vmem>>, vector<1000x128xf32>
      tpu.vector_store %arg18[%swap3A, %swap3A_72], %max3A_70 {strides = array<i32>} : memref<10000x128xf32, #tpu.memory_space<vmem>>, vector<1000x128xf32>,
      %eq3A_74 = arith.constant 0 : i32
      %eq3A_75 = arith.cmpi eq, %arg1, %eq3A_74 : i32
      %convert_element_type3A_76 = arith.extui %eq3A_75 : i1 to i32
      %cond3A_77 = arith.constant 0 : i32
      %cond3A_78 = arith.cmpi ne, %convert_element_type3A_76, %cond3A_77 : i32
      scf.if %cond3A_78 {
        %broadcast_in_dim3A_98 = arith.constant 0.000000e+00 : f32
        %broadcast_in_dim3A_99 = vector.broadcast %broadcast_in_dim3A_98 : f32 to vector<8x128xf32>
        %swap3A_100 = arith.constant 0 : index
        %swap3A_101 = arith.constant 0 : index
        %swap3A_102 = vector.load %arg19[%swap3A_100, %swap3A_101] : memref<8x128xf32, #tpu.memory_space<vmem>>, vector<8x128xf32>
        tpu.vector_store %arg19[%swap3A_100, %swap3A_101], %broadcast_in_dim3A_99 {strides = array<i32>} : memref<8x128xf32, #tpu.memory_space<vmem>>, vector<8x128xf32>,
      } else {
      }
      %get3A_79 = arith.constant 0 : index
      %get3A_80 = arith.constant 0 : index
      %get3A_81 = vector.load %arg19[%get3A_79, %get3A_80] : memref<8x128xf32, #tpu.memory_space<vmem>>, vector<1x128xf32>
      %reduce_sum3A = arith.constant dense<0.000000e+00> : vector<128xf32>
      %reduce_sum3A_82 = vector.multi_reduction <add>, %max3A_70, %reduce_sum3A [0] : vector<1000x128xf32> to vector<128xf32>
      %broadcast_in_dim3A = vector.shape_cast %reduce_sum3A_82 : vector<128xf32> to vector<1x128xf32>
      %add3A_83 = arith.addf %get3A_81, %broadcast_in_dim3A : vector<1x128xf32>
      %swap3A_84 = arith.constant 0 : index
      %swap3A_85 = arith.constant 0 : index
      %swap3A_86 = vector.load %arg19[%swap3A_84, %swap3A_85] : memref<8x128xf32, #tpu.memory_space<vmem>>, vector<1x128xf32>
      tpu.vector_store %arg19[%swap3A_84, %swap3A_85], %add3A_83 {strides = array<i32>} : memref<8x128xf32, #tpu.memory_space<vmem>>, vector<1x128xf32>,
      %get3A_87 = arith.constant 1 : index
      %get3A_88 = arith.constant 0 : index
      %get3A_89 = vector.load %arg19[%get3A_87, %get3A_88] : memref<8x128xf32, #tpu.memory_space<vmem>>, vector<1x128xf32>
      %mul3A_90 = arith.mulf %max3A_70, %max3A_70 : vector<1000x128xf32>
      %reduce_sum3A_91 = arith.constant dense<0.000000e+00> : vector<128xf32>
      %reduce_sum3A_92 = vector.multi_reduction <add>, %mul3A_90, %reduce_sum3A_91 [0] : vector<1000x128xf32> to vector<128xf32>
      %broadcast_in_dim3A_93 = vector.shape_cast %reduce_sum3A_92 : vector<128xf32> to vector<1x128xf32>
      %add3A_94 = arith.addf %get3A_89, %broadcast_in_dim3A_93 : vector<1x128xf32>
      %swap3A_95 = arith.constant 1 : index
      %swap3A_96 = arith.constant 0 : index
      %swap3A_97 = vector.load %arg19[%swap3A_95, %swap3A_96] : memref<8x128xf32, #tpu.memory_space<vmem>>, vector<1x128xf32>
      tpu.vector_store %arg19[%swap3A_95, %swap3A_96], %add3A_94 {strides = array<i32>} : memref<8x128xf32, #tpu.memory_space<vmem>>, vector<1x128xf32>,
    } else {
    }
    %eq3A_2 = arith.constant 1 : i32
    %eq3A_3 = arith.cmpi eq, %arg0, %eq3A_2 : i32
    %convert_element_type3A_4 = arith.extui %eq3A_3 : i1 to i32
    %cond3A_5 = arith.constant 0 : i32
    %cond3A_6 = arith.cmpi ne, %convert_element_type3A_4, %cond3A_5 : i32
    scf.if %cond3A_6 {
      %get3A = arith.constant 0 : index
      %get3A_7 = arith.constant 0 : index
      %get3A_8 = vector.load %arg19[%get3A, %get3A_7] : memref<8x128xf32, #tpu.memory_space<vmem>>, vector<1x128xf32>
      %mul3A = arith.constant 9.99999974E-5 : f32
      %mul3A_9 = vector.broadcast %mul3A : f32 to vector<1x128xf32>
      %mul3A_10 = arith.mulf %get3A_8, %mul3A_9 : vector<1x128xf32>
      %get3A_11 = arith.constant 1 : index
      %get3A_12 = arith.constant 0 : index
      %get3A_13 = vector.load %arg19[%get3A_11, %get3A_12] : memref<8x128xf32, #tpu.memory_space<vmem>>, vector<1x128xf32>
      %mul3A_14 = arith.constant 9.99999974E-5 : f32
      %mul3A_15 = vector.broadcast %mul3A_14 : f32 to vector<1x128xf32>
      %mul3A_16 = arith.mulf %get3A_13, %mul3A_15 : vector<1x128xf32>
      %mul3A_17 = arith.mulf %mul3A_10, %mul3A_10 : vector<1x128xf32>
      %sub3A = arith.subf %mul3A_16, %mul3A_17 : vector<1x128xf32>
      %get3A_18 = arith.constant 0 : index
      %get3A_19 = arith.constant 0 : index
      %get3A_20 = vector.load %arg13[%get3A_18, %get3A_19] : memref<1x128xf32, #tpu.memory_space<vmem>>, vector<1x128xf32>
      %add3A = arith.constant 9.99999974E-6 : f32
      %add3A_21 = vector.broadcast %add3A : f32 to vector<1x128xf32>
      %add3A_22 = arith.addf %sub3A, %add3A_21 : vector<1x128xf32>
      %rsqrt3A = math.rsqrt %add3A_22 : vector<1x128xf32>
      %mul3A_23 = arith.mulf %get3A_20, %rsqrt3A : vector<1x128xf32>
      %get3A_24 = arith.constant 0 : index
      %get3A_25 = arith.constant 0 : index
      %get3A_26 = vector.load %arg14[%get3A_24, %get3A_25] : memref<1x128xf32, #tpu.memory_space<vmem>>, vector<1x128xf32>
      %mul3A_27 = arith.mulf %mul3A_10, %mul3A_23 : vector<1x128xf32>
      %sub3A_28 = arith.subf %get3A_26, %mul3A_27 : vector<1x128xf32>
      %mul3A_29 = arith.constant 1000 : i32
      %mul3A_30 = arith.muli %arg1, %mul3A_29 : i32
      %get3A_31 = arith.index_cast %mul3A_30 : i32 to index
      %get3A_32 = arith.constant 0 : index
      %get3A_33 = vector.load %arg18[%get3A_31, %get3A_32] : memref<10000x128xf32, #tpu.memory_space<vmem>>, vector<1000x128xf32>
      %mul3A_34 = vector.broadcast %mul3A_23 : vector<1x128xf32> to vector<1000x128xf32>
      %mul3A_35 = arith.mulf %get3A_33, %mul3A_34 : vector<1000x128xf32>
      %add3A_36 = vector.broadcast %sub3A_28 : vector<1x128xf32> to vector<1000x128xf32>
      %add3A_37 = arith.addf %mul3A_35, %add3A_36 : vector<1000x128xf32>
      %get3A_38 = arith.constant 0 : index
      %get3A_39 = arith.constant 0 : index
      %get3A_40 = vector.load %arg15[%get3A_38, %get3A_39] : memref<128x128xf32, #tpu.memory_space<vmem>>, vector<128x128xf32>
      %dot_general3A = arith.constant dense<0.000000e+00> : vector<1000x128xf32>
      %dot_general3A_41 = tpu.matmul %add3A_37, %get3A_40, %dot_general3A {dimension_numbers = #tpu.dot_dimension_numbers<[1], [0], [0], [1], [0, 0, 1, 1], [], []>, transpose_lhs_hint = false} : vector<1000x128xf32>, vector<128x128xf32>, vector<1000x128xf32> -> vector<1000x128xf32>
      %get3A_42 = arith.constant 0 : index
      %get3A_43 = arith.constant 0 : index
      %get3A_44 = vector.load %arg16[%get3A_42, %get3A_43] : memref<1x128xf32, #tpu.memory_space<vmem>>, vector<1x128xf32>
      %add3A_45 = vector.broadcast %get3A_44 : vector<1x128xf32> to vector<1000x128xf32>
      %add3A_46 = arith.addf %dot_general3A_41, %add3A_45 : vector<1000x128xf32>
      %swap3A = arith.constant 0 : index
      %swap3A_47 = arith.constant 0 : index
      %swap3A_48 = vector.load %arg17[%swap3A, %swap3A_47] : memref<1000x128xf32, #tpu.memory_space<vmem>>, vector<1000x128xf32>
      tpu.vector_store %arg17[%swap3A, %swap3A_47], %add3A_46 {strides = array<i32>} : memref<1000x128xf32, #tpu.memory_space<vmem>>, vector<1000x128xf32>,
    } else {
    }
    return
  }
  func.func @transform_0(%arg0: i32, %arg1: i32) -> (i32, i32, i32) {
    %c0_i32 = arith.constant 0 : i32
    %c0_i32_0 = arith.constant 0 : i32
    %c0_i32_1 = arith.constant 0 : i32
    return %c0_i32, %arg1, %c0_i32_0 : i32, i32, i32
  }
  func.func @transform_1(%arg0: i32, %arg1: i32) -> (i32, i32) {
    %c0_i32 = arith.constant 0 : i32
    %c0_i32_0 = arith.constant 0 : i32
    return %arg1, %c0_i32 : i32, i32
  }
  func.func @transform_2(%arg0: i32, %arg1: i32) -> (i32, i32) {
    %c0_i32 = arith.constant 0 : i32
    %c0_i32_0 = arith.constant 0 : i32
    %c0_i32_1 = arith.constant 0 : i32
    return %c0_i32, %c0_i32_0 : i32, i32
  }
  func.func @transform_3(%arg0: i32, %arg1: i32) -> (i32, i32) {
    %c0_i32 = arith.constant 0 : i32
    %c0_i32_0 = arith.constant 0 : i32
    %c0_i32_1 = arith.constant 0 : i32
    return %c0_i32, %c0_i32_0 : i32, i32
  }
  func.func @transform_4(%arg0: i32, %arg1: i32) -> (i32, i32) {
    %c0_i32 = arith.constant 0 : i32
    %c0_i32_0 = arith.constant 0 : i32
    %c0_i32_1 = arith.constant 0 : i32
    return %c0_i32, %c0_i32_0 : i32, i32
  }
  func.func @transform_5(%arg0: i32, %arg1: i32) -> (i32, i32) {
    %c0_i32 = arith.constant 0 : i32
    %c0_i32_0 = arith.constant 0 : i32
    %c0_i32_1 = arith.constant 0 : i32
    return %c0_i32, %c0_i32_0 : i32, i32
  }
  func.func @transform_6(%arg0: i32, %arg1: i32) -> (i32, i32) {
    %c0_i32 = arith.constant 0 : i32
    %c0_i32_0 = arith.constant 0 : i32
    %c0_i32_1 = arith.constant 0 : i32
    return %c0_i32, %c0_i32_0 : i32, i32
  }
  func.func @transform_7(%arg0: i32, %arg1: i32) -> (i32, i32) {
    %c0_i32 = arith.constant 0 : i32
    %c0_i32_0 = arith.constant 0 : i32
    %c0_i32_1 = arith.constant 0 : i32
    return %c0_i32, %c0_i32_0 : i32, i32
  }
  func.func @transform_8(%arg0: i32, %arg1: i32) -> (i32, i32) {
    %c0_i32 = arith.constant 0 : i32
    %c0_i32_0 = arith.constant 0 : i32
    %c0_i32_1 = arith.constant 0 : i32
    return %c0_i32, %c0_i32_0 : i32, i32
  }
  func.func @transform_9(%arg0: i32, %arg1: i32) -> (i32, i32) {
    %c0_i32 = arith.constant 0 : i32
    %c0_i32_0 = arith.constant 0 : i32
    %c0_i32_1 = arith.constant 0 : i32
    return %c0_i32, %c0_i32_0 : i32, i32
  }
  func.func @transform_10(%arg0: i32, %arg1: i32) -> (i32, i32) {
    %c0_i32 = arith.constant 0 : i32
    %c0_i32_0 = arith.constant 0 : i32
    %c0_i32_1 = arith.constant 0 : i32
    return %c0_i32, %c0_i32_0 : i32, i32
  }
  func.func @transform_11(%arg0: i32, %arg1: i32) -> (i32, i32) {
    %c0_i32 = arith.constant 0 : i32
    %c0_i32_0 = arith.constant 0 : i32
    %c0_i32_1 = arith.constant 0 : i32
    return %c0_i32, %c0_i32_0 : i32, i32
  }
  func.func @transform_12(%arg0: i32, %arg1: i32) -> (i32, i32) {
    %c0_i32 = arith.constant 0 : i32
    %c0_i32_0 = arith.constant 0 : i32
    %c0_i32_1 = arith.constant 0 : i32
    return %c0_i32, %c0_i32_0 : i32, i32
  }
  func.func @transform_13(%arg0: i32, %arg1: i32) -> (i32, i32) {
    %c0_i32 = arith.constant 0 : i32
    %c0_i32_0 = arith.constant 0 : i32
    %c0_i32_1 = arith.constant 0 : i32
    return %c0_i32, %c0_i32_0 : i32, i32
  }
  func.func @transform_14(%arg0: i32, %arg1: i32) -> (i32, i32) {
    %c0_i32 = arith.constant 0 : i32
    %c0_i32_0 = arith.constant 0 : i32
    %c0_i32_1 = arith.constant 0 : i32
    return %c0_i32, %c0_i32_0 : i32, i32
  }
  func.func @transform_15(%arg0: i32, %arg1: i32) -> (i32, i32) {
    %c0_i32 = arith.constant 0 : i32
    %c0_i32_0 = arith.constant 0 : i32
    return %arg1, %c0_i32 : i32, i32
  }
}

</mosaic_0001>

<sc_bundles>
// kernel: kernel.4.cloned.1.call-start
scs
__scs_entry_jumppad:
0x0: {  	(pc) =	sbr.rel $0x88, $3  }
0x1: {  	(tag) =	ssettag $0x0;
	lr =	simm.s32 $0x1  }
0x2: {  	[smem:$0x3F91] =	sst lr;
	_ =	strace $0xD0000000  }
0x3: {  	_ = 	snop  }
0x4: {  	_ = 	snop  }
0x5: {  	_ = 	snop  }
0x6: {  	_ = 	snop  }
0x7: {  	_ = 	snop  }
__scs_overlays_trampoline_lowered:
0x8: {  	[smem:$0x3FA0] =	sst s0  }
0x9: {  	[smem:$0x3FA1] =	sst s1  }
0xa: {  	[smem:$0x3FA2] =	sst s2  }
0xb: {  	[smem:$0x3FA3] =	sst s3  }
0xc: {  	[smem:$0x3FA4] =	sst s4  }
0xd: {  	[smem:$0x3FA5] =	sst s5  }
0xe: {  	[smem:$0x3FA6] =	sst s6  }
0xf: {  	[smem:$0x3FA7] =	sst s7  }
0x10: {  	[smem:$0x3FA8] =	sst s8  }
0x11: {  	[smem:$0x3FA9] =	sst s9;
	s0 =	simm.s32 @!p0 $0x0  }
0x12: {  	s1 =	sld [smem:$0x3F8F];
	s0 =	simm.s32 @p0 $0x1  }
0x13: {  	[smem:$0x3FAA] =	sst s0;
	s0 =	simm.s32 @!p1 $0x0  }
0x14: {  	s2 =	sld [smem:$0x3F8E];
	s0 =	simm.s32 @p1 $0x1  }
0x15: {  	[smem:$0x3FAB] =	sst s0;
	s0 =	simm.s32 @!p2 $0x0  }
0x16: {  	s3 =	sld [smem:$0x3FDB];
	s0 =	simm.s32 @p2 $0x1  }
0x17: {  	s4 =	simm.s32 $0x1BF5;
	[smem:$0x3FAD] =	sst s0  }
0x18: {  	s0 =	sld [smem:$0x3F90];
	_ =	swait.ge [sflag:s4], $0x0  }
0x19: {  	s7 =	sld [smem:$0x3F91]  }
0x1a: {  	s8 =	sadd.s32 $0xFFFFE003, lr  }
0x1b: {  	s9 =	sadd.s32 $0xFFFFFEF7, lr;
	s5 =	simm.s32 $0xFFFFFFFF;
	p2 =	slt.u32 s8, $0xFFFFF086  }
0x1c: {  	p1 =	slt.u32 s9, $0xF7A;
	s5 =	simm.s32 @!p2 $0x0  }
0x1d: {  	s5 =	simm.s32 @p1 $0x1;
	p0 =	seq.s32 s7, s2  }
0x1e: {  	s7 =	smul.u32 @!p0 $0xF7A, s2;
	p2 =	seq.s32 @!p0 s5, $0x0  }
0x1f: {  	s9 =	smul.u32 $0xF7A, s1;
	s8 =	simm.s32 @!p0 $0x1BF5;
	p2 =	por !p2, p0  }
0x20: {  	[sflag:s8] =	ssyncset.s32 @!p0 $0xFFFFF086;
	s6 =	sadd.s32 @!p0 s3, s7;
	s7 =	simm.s32 @!p0 $0x108  }
0x21: {  	s3 =	sadd.s32 s3, s9;
	s6 =	sadd.s32 @!p0 $0x88, s6;
	s7 =	simm.s32 @p2 $0x1082  }
0x22: {  	[simem:s7], [sflag:s8] =	dma.local @!p0 [hbm:s6], $0xF7A  }
0x23: {  	s9 =	sor.u32 $0xD0000000, s2;
	s6 =	simm.s32 $0x108;
	_ =	swait.ge @!p0 [sflag:s8], $0x0  }
0x24: {  	s3 =	sadd.s32 $0x88, s3;
	s6 =	simm.s32 @!p1 $0x1082;
	[sflag:s4] =	ssyncset.s32 $0xFFFFF086  }
0x25: {  	[simem:s6], [sflag:s4] =	dma.local [hbm:s3], $0xF7A  }
0x26: {  	[smem:$0x3F91] =	sst s1;
	(tag) =	ssettag s2;
	_ =	strace s9  }
0x27: {  	s1 =	sld [smem:$0x3FA1]  }
0x28: {  	s2 =	sld [smem:$0x3FA2]  }
0x29: {  	s4 =	sld [smem:$0x3FA4]  }
0x2a: {  	p0 =	seq.s32 s5, $0x0;
	s5 =	sld [smem:$0x3FA5]  }
0x2b: {  	s6 =	sld [smem:$0x3FA6]  }
0x2c: {  	s7 =	sld [smem:$0x3FA7]  }
0x2d: {  	s3 =	simm.s32 $0x108;
	s8 =	sld [smem:$0x3FA8]  }
0x2e: {  	s3 =	simm.s32 @!p0 $0x1082;
	s9 =	sld [smem:$0x3FA9]  }
0x2f: {  	lr =	sadd.s32 s0, s3;
	s0 =	sld [smem:$0x3FA0]  }
0x30: {  	s3 =	sld [smem:$0x3FA3]  }
0x31: {  	[smem:$0x3FAC] =	sst s10  }
0x32: {  	s10 =	sld [smem:$0x3FAA];
	_ =	sdelay $0x3  }
0x33: {  	p0 =	seq.s32 s10, $0x1;
	s10 =	sld [smem:$0x3FAC];
	_ =	sdelay $0x3  }
0x34: {  	[smem:$0x3FAC] =	sst s10  }
0x35: {  	s10 =	sld [smem:$0x3FAB];
	_ =	sdelay $0x3  }
0x36: {  	p1 =	seq.s32 s10, $0x1;
	s10 =	sld [smem:$0x3FAC];
	_ =	sdelay $0x3  }
0x37: {  	[smem:$0x3FAC] =	sst s10  }
0x38: {  	s10 =	sld [smem:$0x3FAD]  }
0x39: {  	_ = 	snop;
	(pc) =	sbr.ind lr, $3  }
0x3a: {  	_ = 	snop  }
0x3b: {  	_ = 	snop  }
0x3c: {  	p2 =	seq.s32 s10, $0x1;
	s10 =	sld [smem:$0x3FAC]  }
0x3d: {  	_ =	shalt  }
0x3e: {  	_ =	shalt  }
0x3f: {  	_ =	shalt  }
0x40: {  	_ =	shalt  }
0x41: {  	_ =	shalt  }
0x42: {  	_ =	shalt  }
0x43: {  	_ =	shalt  }
0x44: {  	_ =	shalt  }
0x45: {  	_ =	shalt  }
0x46: {  	_ =	shalt  }
0x47: {  	_ =	shalt  }
0x48: {  	_ =	shalt  }
0x49: {  	_ =	shalt  }
0x4a: {  	_ =	shalt  }
0x4b: {  	_ =	shalt  }
0x4c: {  	_ =	shalt  }
0x4d: {  	_ =	shalt  }
0x4e: {  	_ =	shalt  }
0x4f: {  	_ =	shalt  }
0x50: {  	_ =	shalt  }
0x51: {  	_ =	shalt  }
0x52: {  	_ =	shalt  }
0x53: {  	_ =	shalt  }
0x54: {  	_ =	shalt  }
0x55: {  	_ =	shalt  }
0x56: {  	_ =	shalt  }
0x57: {  	_ =	shalt  }
0x58: {  	_ =	shalt  }
0x59: {  	_ =	shalt  }
0x5a: {  	_ =	shalt  }
0x5b: {  	_ =	shalt  }
0x5c: {  	_ =	shalt  }
0x5d: {  	_ =	shalt  }
0x5e: {  	_ =	shalt  }
0x5f: {  	_ =	shalt  }
0x60: {  	_ =	shalt  }
0x61: {  	_ =	shalt  }
0x62: {  	_ =	shalt  }
0x63: {  	_ =	shalt  }
0x64: {  	_ =	shalt  }
0x65: {  	_ =	shalt  }
0x66: {  	_ =	shalt  }
0x67: {  	_ =	shalt  }
0x68: {  	_ =	shalt  }
0x69: {  	_ =	shalt  }
0x6a: {  	_ =	shalt  }
0x6b: {  	_ =	shalt  }
0x6c: {  	_ =	shalt  }
0x6d: {  	_ =	shalt  }
0x6e: {  	_ =	shalt  }
0x6f: {  	_ =	shalt  }
0x70: {  	_ =	shalt  }
0x71: {  	_ =	shalt  }
0x72: {  	_ =	shalt  }
0x73: {  	_ =	shalt  }
0x74: {  	_ =	shalt  }
0x75: {  	_ =	shalt  }
0x76: {  	_ =	shalt  }
0x77: {  	_ =	shalt  }
0x78: {  	_ =	shalt  }
0x79: {  	_ =	shalt  }
0x7a: {  	_ =	shalt  }
0x7b: {  	_ =	shalt  }
0x7c: {  	_ =	shalt  }
0x7d: {  	_ =	shalt  }
0x7e: {  	_ =	shalt  }
0x7f: {  	_ =	shalt  }
0x80: {  	_ =	shalt  }
0x81: {  	_ =	shalt  }
0x82: {  	_ =	shalt  }
0x83: {  	_ =	shalt  }
0x84: {  	_ =	shalt  }
0x85: {  	_ =	shalt  }
0x86: {  	_ =	shalt  }
0x87: {  	_ =	shalt  }
.Lfunc_end0:
.L_simem_size_0:
called_computation_lowered:
.L_overlay_start_0:
0x88: {  	s2 =	sld [smem:$0x3FD9]  }
0x89: {  	s3 =	sld [smem:$0x3FFE];
	_ =	sdelay $0x1  }
0x8a: {  	s1 =	srdreg.scid  }
0x8b: {  	s0 =	sand.u32 $0x1, s1  }
0x8c: {  	s17 =	sshll.u32 s0, $0xA;
	s2 =	sadd.s32 s3, s2  }
0x8d: {  	s2 =	sadd.s32 s2, s17  }
0x8e: {  	[smem:$0x3FB8] =	sst s2  }
0x8f: {  	_ = 	snop  }
0x90: {  	s2 =	sld [smem:$0x3FD0];
	(tm) =	ssettm $0x1  }
0x91: {  	s18 =	sld [smem:$0x3FFB];
	_ =	sdelay $0x3  }
0x92: {  	_ =	strace s18  }
0x93: {  	s3 =	sld [smem:$0x3FFC];
	_ =	sdelay $0x3  }
0x94: {  	_ =	strace s3  }
0x95: {  	s3 =	sld [smem:$0x3FFD];
	_ =	sdelay $0x3  }
0x96: {  	_ =	strace s3  }
0x97: {  	_ =	strace $0x8FFFFFFF  }
0x98: {  	s19 =	sld [smem:$0x3FDB];
	_ =	sdelay $0x1  }
0x99: {  	s4 =	simm.s32 $_scs_section_size  }
0x9a: {  	s5 =	simm.s32 $_size__tile_overlayer_lowered;
	s6 =	simm.s32 $_tile_overlayer_lowered  }
0x9b: {  	s22 =	simm.s32 $0x1BFF;
	s21 =	sshll.u32 s6, $0x1;
	s3 =	sadd.s32 s4, s19  }
0x9c: {  	s7 =	simm.s32 $0x0;
	s20 =	sshll.u32 s5, $0x1;
	s5 =	sadd.s32 s21, s3  }
0x9d: {  	[timem:s7], [sflag:s22] =	dma.local [hbm:s5], s20  }
0x9e: {  	_ =	swait.ge [sflag:s22], s20  }
0x9f: {  	s4 =	ssub.s32 $0x0, s20;
	[sflag:s22] =	ssyncset.done $0x0  }
0xa0: {  	[sflag:s22] =	ssyncadd.s32 s4;
	_ =	sdelay $0x1  }
0xa1: {  	s23 =	simm.s32 $0x1B8B  }
0xa2: {  	_ =	swait.ge [sflag:s23], $0x1  }
0xa3: {  	[sflag:s23] =	ssyncset.done $0x0  }
0xa4: {  	s25 =	simm.s32 $0x1B8E;
	s24 =	sld [smem:$0x3FFE];
	[sflag:s23] =	ssyncadd.s32 $0xFFFFFFFF  }
0xa5: {  	s26 =	simm.s32 $execute0_lowered;
	[smem:$0x3FD2] =	sst s25  }
0xa6: {  	s5 =	sshll.u32 s26, $0x1;
	_ =	strace $0x80000046;
	[dreg:$0x1] =	wrdreg $0xFFFFFFFF  }
0xa7: {  	s28 =	simm.s32 $_size_execute0_lowered;
	s3 =	sadd.s32 s3, s5;
	[dreg:$0x0] =	wrdreg $0x0  }
0xa8: {  	s5 =	sshll.u32 s28, $0x1;
	[dreg:$0x2] =	wrdreg s3  }
0xa9: {  	[dreg:$0x3] =	wrdreg s5  }
0xaa: {  	[dreg:$0x4] =	wrdreg $0xC0  }
0xab: {  	_ =	task [dreg:s7], $0x5FFFF  }
0xac: {  	[dreg:$0x1] =	wrdreg $0xFFFFFFFF  }
0xad: {  	[dreg:$0x0] =	wrdreg $0x60  }
0xae: {  	[dreg:$0x2] =	wrdreg s24  }
0xaf: {  	[dreg:$0x3] =	wrdreg s2  }
0xb0: {  	[dreg:$0x4] =	wrdreg $0x120000  }
0xb1: {  	[dreg:$0x5] =	wrdreg $0x9  }
0xb2: {  	_ =	task.clear_ibuf [dreg:s7], $0x6FFFF;
	_ =	strace $0x90000046  }
0xb3: {  	s29 =	simm.s32 $0x9;
	_ =	strace $0x80000048  }
0xb4: {  	_ =	swait.ge [sflag:s29], $0x1  }
0xb5: {  	[sflag:s29] =	ssyncadd.s32 $0xFFFFFFFF  }
0xb6: {  	_ =	strace $0x90000048  }
0xb7: {  	_ =	sfence  }
0xb8: {  	s30 =	sld [smem:$0x0];
	_ =	sdelay $0x2  }
0xb9: {  	s31 =	sshll.u32 s1, $0xD;
	s1 =	sshrl.u32 s1, $0x2  }
0xba: {  	s3 =	sand.u32 $0x4000, s31;
	s1 =	sadd.s32 s1, s30  }
0xbb: {  	s0 =	sor.u32 s3, s0;
	s1 =	sshll.u32 s1, $0x11  }
0xbc: {  	s0 =	sor.u32 s1, s0  }
0xbd: {  	s0 =	sadd.s32 $0x8F2B, s0  }
0xbe: {  	[sflag:s0] =	ssyncadd.remote.s32 $0x1  }
0xbf: {  	_ =	sfence.sel $0xFFFF  }
0xc0: {  	[dreg:$0x0] =	wrdreg $0xFFFFFFFF;
	(pc) =	sbr.abs _section_cstart, $3  }
0xc1: {  	[dreg:$0x1] =	wrdreg $0xFFFFFFFF  }
0xc2: {  	_ =	task.clear_ibuf [dreg:s7], $0x2FFFF;
	_ =	strace $0x9FFFFFFF  }
0xc3: {  	(tm) =	ssettm $0x7FFFFFFF  }
tec
execute0_lowered:
.L_overlay_start_1:
0x0: {  	(tag) =	ssettag $0x1  }
0x1: {  	s0 =	rddreg [dreg:$0x0]  }
0x2: {  	s1 =	rddreg [dreg:$0x1]  }
0x3: {  	s2 =	rddreg [dreg:$0x2];
	s3 =	simm.s32 $0x0;
	s8 =	stileid.u32  }
0x4: {  	s4 =	srdreg.scid;
	s28 =	simm.s32 $0xD000;
	s5 =	smul.u32 $0xA00, s8  }
0x5: {  	s29 =	simm.s32 $0x1;
	s4 =	sand.u32 $0x1, s4;
	s10 =	smul.u32 $0xA000, s8  }
0x6: {  	s31 =	simm.s32 $0x2;
	[smem:$0x7FF] =	sst s3;
	s6 =	smul.u32 $0x9C40, s4  }
0x7: {  	_ =	strace $0x80000047;
	s7 =	ssub.s32 $0x2, s4;
	s4 =	smul.u32 $0xA0000, s4  }
0x8: {  	s5 =	sadd.s32 s5, s0;
	s16 =	sshrl.u32 s7, $0x1;
	s17 =	sshrl.u32 s10, $0x1  }
0x9: {  	s12 =	sadd.s32 $0x2000, s10;
	s13 =	sadd.s32 $0x4000, s10;
	s14 =	sadd.s32 $0x6000, s10  }
0xa: {  	s15 =	sadd.s32 $0x8000, s10;
	s11 =	sadd.s32 s6, s0;
	s0 =	sadd.s32 $0x2200, s0  }
0xb: {  	s17 =	sadd.s32 s17, s2;
	s18 =	sshrl.u32 s12, $0x1;
	s19 =	sshrl.u32 s13, $0x1  }
0xc: {  	s20 =	sshrl.u32 s14, $0x1;
	s9 =	sshrl.u32 s15, $0x1;
	s21 =	sadd.s32 $0x1FE00, s5  }
0xd: {  	s10 =	sadd.s32 s10, s4;
	s5 =	sadd.s32 $0x15E00, s5;
	s23 =	sadd.s32 s4, s12  }
0xe: {  	s25 =	sadd.s32 s4, s13;
	s26 =	sadd.s32 s4, s14;
	s4 =	sadd.s32 s4, s15  }
0xf: {  	s15 =	simm.s32 $0xC000;
	s13 =	simm.s32 $0x8;
	s14 =	simm.s32 $0xF  }
0x10: {  	[dreg:$0x4] =	wrdreg s0;
	s0 =	ssub.s32 s7, s16;
	s6 =	sadd.s32 s18, s2  }
0x11: {  	s7 =	sadd.s32 s19, s2;
	s8 =	sadd.s32 s20, s2;
	[dreg:$0x9] =	wrdreg s21  }
0x12: {  	s18 =	sadd.s32 s9, s2;
	[dreg:$0xa] =	wrdreg s5;
	s22 =	sshrl.u32 s10, $0x4  }
0x13: {  	s12 =	sadd.s32 $0x2400, s11;
	s24 =	sshrl.u32 s23, $0x4;
	s10 =	sshrl.u32 s26, $0x4  }
0x14: {  	s4 =	sshrl.u32 s4, $0x4;
	s19 =	simm.s32 $0xA000;
	[dreg:$0x5] =	wrdreg s6  }
0x15: {  	s20 =	simm.s32 $0x11;
	s23 =	simm.s32 $0xB000;
	[dreg:$0x6] =	wrdreg s7  }
0x16: {  	s21 =	simm.s32 $0x10000;
	s26 =	simm.s32 $0x11000;
	[dreg:$0x7] =	wrdreg s8  }
0x17: {  	s11 =	simm.s32 $0xD;
	s5 =	sadd.s32 s1, s22;
	[dreg:$0x8] =	wrdreg s18  }
0x18: {  	s16 =	simm.s32 $0x0;
	s30 =	sadd.s32 s1, s10;
	[dreg:$0xb] =	wrdreg s5  }
0x19: {  	s0 =	smax.u32 s0, $0x1;
	s22 =	simm.s32 $0x80;
	[dreg:$0xe] =	wrdreg s30  }
.Ltmp0:
0x1a: {  	s5 =	sadd.s32 s1, s24;
	[dreg:$0x10] =	wrdreg s0;
	(pc) =	sbr.rel .LBB2_1-.Ltmp0, $4  }
0x1b: {  	s10 =	simm.s32 $0x6;
	[dreg:$0xc] =	wrdreg s5;
	s5 =	sshrl.u32 s25, $0x4  }
0x1c: {  	s0 =	simm.s32 $0xF000;
	s24 =	simm.s32 $0x4;
	s5 =	sadd.s32 s1, s5  }
0x1d: {  	s25 =	simm.s32 $0xE000;
	s1 =	sadd.s32 s1, s4;
	[dreg:$0xd] =	wrdreg s5  }
0x1e: {  	s4 =	simm.s32 $0xB;
	[dreg:$0xf] =	wrdreg s1;
	s1 =	simm.s32 $0x9  }
.LBB2_4:
0x1f: {  	s5 =	simm.s32 $0x10  }
0x20: {  	_ =	swait.ge [sflag:s5], $0x1000  }
0x21: {  	[sflag:s5] =	ssyncset.done $0x0  }
0x22: {  	[sflag:s5] =	ssyncadd.s32 $0xFFFFF000  }
0x23: {  	[bflag:$0x0] =	sbarrier.arrive $0xFFFF  }
0x24: {  	[tilespmem:s19], [sflag:$0x11] =	stream.linear.gather [spmem:s9], $0x1000, $0x38;
	[tilespmem:$0x17000] =	vst v63  }
0x25: {  	_ =	swait.ge [sflag:s20], $0x1000  }
0x26: {  	[sflag:s20] =	ssyncset.done $0x0  }
0x27: {  	s15 =	rddreg [dreg:$0xb];
	[sflag:s20] =	ssyncadd.s32 $0xFFFFF000  }
0x28: {  	[hbm4b:s15+s3] =	stream.linear.scatter [tilespmem:s19], [sflag:$0x11], $0x1000, $0x38;
	[tilespmem:$0x17000] =	vst v63  }
0x29: {  	_ =	swait.ge [sflag:s20], $0x1000  }
0x2a: {  	[sflag:s20] =	ssyncset.done $0x0  }
0x2b: {  	s6 =	rddreg [dreg:$0x5];
	[sflag:s20] =	ssyncadd.s32 $0xFFFFF000  }
0x2c: {  	[tilespmem:s23], [sflag:$0x11] =	stream.linear.gather [spmem:s6], $0x1000, $0x38;
	[tilespmem:$0x17000] =	vst v63  }
0x2d: {  	_ =	swait.ge [sflag:s20], $0x1000  }
0x2e: {  	[sflag:s20] =	ssyncset.done $0x0  }
0x2f: {  	s18 =	rddreg [dreg:$0xc];
	[sflag:s20] =	ssyncadd.s32 $0xFFFFF000  }
0x30: {  	[hbm4b:s18+s3] =	stream.linear.scatter [tilespmem:s23], [sflag:$0x11], $0x1000, $0x38;
	[tilespmem:$0x17000] =	vst v63  }
0x31: {  	_ =	swait.ge [sflag:s20], $0x1000  }
0x32: {  	[sflag:s20] =	ssyncset.done $0x0  }
0x33: {  	s15 =	simm.s32 $0xC000;
	s7 =	rddreg [dreg:$0x6];
	[sflag:s20] =	ssyncadd.s32 $0xFFFFF000  }
0x34: {  	[tilespmem:s15], [sflag:$0x11] =	stream.linear.gather [spmem:s7], $0x1000, $0x38;
	[tilespmem:$0x17000] =	vst v63  }
0x35: {  	_ =	swait.ge [sflag:s20], $0x1000  }
0x36: {  	[sflag:s20] =	ssyncset.done $0x0  }
0x37: {  	s25 =	rddreg [dreg:$0xd];
	[sflag:s20] =	ssyncadd.s32 $0xFFFFF000  }
0x38: {  	[hbm4b:s25+s3] =	stream.linear.scatter [tilespmem:s15], [sflag:$0x11], $0x1000, $0x38;
	[tilespmem:$0x17000] =	vst v63  }
0x39: {  	_ =	swait.ge [sflag:s20], $0x1000  }
0x3a: {  	[sflag:s20] =	ssyncset.done $0x0  }
0x3b: {  	s8 =	rddreg [dreg:$0x7];
	[sflag:s20] =	ssyncadd.s32 $0xFFFFF000  }
0x3c: {  	[tilespmem:s28], [sflag:$0x11] =	stream.linear.gather [spmem:s8], $0x1000, $0x38;
	[tilespmem:$0x17000] =	vst v63  }
0x3d: {  	_ =	swait.ge [sflag:s20], $0x1000  }
0x3e: {  	[sflag:s20] =	ssyncset.done $0x0  }
0x3f: {  	s30 =	rddreg [dreg:$0xe];
	[sflag:s20] =	ssyncadd.s32 $0xFFFFF000  }
0x40: {  	[hbm4b:s30+s3] =	stream.linear.scatter [tilespmem:s28], [sflag:$0x11], $0x1000, $0x38;
	[tilespmem:$0x17000] =	vst v63  }
0x41: {  	_ =	swait.ge [sflag:s20], $0x1000  }
0x42: {  	[sflag:s20] =	ssyncset.done $0x0  }
0x43: {  	s25 =	simm.s32 $0xE000;
	s18 =	rddreg [dreg:$0x8];
	[sflag:s20] =	ssyncadd.s32 $0xFFFFF000  }
0x44: {  	[tilespmem:s25], [sflag:$0x11] =	stream.linear.gather [spmem:s18], $0x1000, $0x38;
	[tilespmem:$0x17000] =	vst v63  }
0x45: {  	_ =	swait.ge [sflag:s20], $0x1000  }
0x46: {  	[sflag:s20] =	ssyncset.done $0x0  }
0x47: {  	s17 =	smov.u32 s9;
	s9 =	rddreg [dreg:$0xf];
	[sflag:s20] =	ssyncadd.s32 $0xFFFFF000  }
0x48: {  	[hbm4b:s9+s3] =	stream.linear.scatter [tilespmem:s25], [sflag:$0x11], $0x1000, $0x38;
	[tilespmem:$0x17000] =	vst v63  }
0x49: {  	_ =	swait.ge [sflag:s20], $0x1000  }
0x4a: {  	s16 =	sadd.s32 $0x1, s16;
	s30 =	rddreg [dreg:$0x10]  }
0x4b: {  	p0 =	sne.s32 s16, s30  }
.Ltmp1:
0x4c: {  	_ = 	snop;
	(pc) =	sbr.rel @!p0 .LBB2_5-.Ltmp1, $3  }
0x4d: {  	_ =	sdelay $0x1  }
0x4e: {  	[sflag:s20] =	ssyncset.done $0x0  }
0x4f: {  	[sflag:s20] =	ssyncadd.s32 $0xFFFFF000  }
.LBB2_1:
0x50: {  	s5 =	rddreg [dreg:$0x4]  }
0x51: {  	[tilespmem:s19], [sflag:$0x11] =	stream.linear.gather [hbm4b:s5+s3], $0x1000, $0x38;
	[tilespmem:$0x17000] =	vst v63  }
0x52: {  	_ =	swait.ge [sflag:s20], $0x1000  }
0x53: {  	[sflag:s20] =	ssyncset.done $0x0  }
0x54: {  	[sflag:s20] =	ssyncadd.s32 $0xFFFFF000  }
0x55: {  	[spmem:s17] =	stream.linear.scatter [tilespmem:s19], [sflag:$0x11], $0x1000, $0x38;
	[tilespmem:$0x17000] =	vst v63  }
0x56: {  	_ =	swait.ge [sflag:s20], $0x1000  }
0x57: {  	[sflag:s20] =	ssyncset.done $0x0  }
0x58: {  	[sflag:s20] =	ssyncadd.s32 $0xFFFFF000  }
0x59: {  	[spmem:s6] =	stream.linear.scatter [tilespmem:s19], [sflag:$0x11], $0x1000, $0x38;
	[tilespmem:$0x17000] =	vst v63  }
0x5a: {  	_ =	swait.ge [sflag:s20], $0x1000  }
0x5b: {  	[sflag:s20] =	ssyncset.done $0x0  }
0x5c: {  	[sflag:s20] =	ssyncadd.s32 $0xFFFFF000  }
0x5d: {  	[spmem:s7] =	stream.linear.scatter [tilespmem:s19], [sflag:$0x11], $0x1000, $0x38;
	[tilespmem:$0x17000] =	vst v63  }
0x5e: {  	_ =	swait.ge [sflag:s20], $0x1000  }
0x5f: {  	[sflag:s20] =	ssyncset.done $0x0  }
0x60: {  	[sflag:s20] =	ssyncadd.s32 $0xFFFFF000  }
0x61: {  	[spmem:s8] =	stream.linear.scatter [tilespmem:s19], [sflag:$0x11], $0x1000, $0x38;
	[tilespmem:$0x17000] =	vst v63  }
0x62: {  	_ =	swait.ge [sflag:s20], $0x1000  }
0x63: {  	[sflag:s20] =	ssyncset.done $0x0  }
0x64: {  	[sflag:s20] =	ssyncadd.s32 $0xFFFFF000  }
0x65: {  	[spmem:s18] =	stream.linear.scatter [tilespmem:s19], [sflag:$0x11], $0x1000, $0x38;
	[tilespmem:$0x17000] =	vst v63  }
0x66: {  	_ =	swait.ge [sflag:s20], $0x1000  }
0x67: {  	[sflag:s20] =	ssyncset.done $0x0  }
0x68: {  	s30 =	rddreg [dreg:$0x9];
	[sflag:s20] =	ssyncadd.s32 $0xFFFFF000  }
0x69: {  	[tilespmem:s3], [sflag:$0x11] =	stream.linear.gather [hbm4b:s30+s3], $0x5000, $0x38;
	[tilespmem:$0x17000] =	vst v63  }
0x6a: {  	_ =	swait.ge [sflag:s20], $0x5000  }
0x6b: {  	[sflag:s20] =	ssyncset.done $0x0  }
0x6c: {  	s7 =	simm.s32 $0x5000;
	s6 =	rddreg [dreg:$0xa];
	[sflag:s20] =	ssyncadd.s32 $0xFFFFB000  }
0x6d: {  	[tilespmem:s7], [sflag:$0x11] =	stream.linear.gather [hbm4b:s6+s3], $0x5000, $0x38;
	[tilespmem:$0x17000] =	vst v63  }
0x6e: {  	_ =	swait.ge [sflag:s20], $0x5000  }
0x6f: {  	[sflag:s20] =	ssyncset.done $0x0  }
0x70: {  	[sflag:s20] =	ssyncadd.s32 $0xFFFFB000  }
0x71: {  	[bflag:$0x0] =	sbarrier.arrive $0xFFFF  }
0x72: {  	[tilespmem:s19], [sflag:$0x1] =	stream.indirect.gather [hbm4b:s12+s22], $0x20, s3, s22, $0xb8;
	[tilespmem:$0x17000] =	vst v63  }
0x73: {  	_ = 	snop  }
0x74: {  	[tilespmem:s23], [sflag:$0x2] =	stream.indirect.gather [hbm4b:s12+s22], $0x20, s22, s22, $0xb8;
	[tilespmem:$0x17000] =	vst v63  }
0x75: {  	s8 =	simm.s32 $0x100  }
0x76: {  	[tilespmem:s15], [sflag:$0x3] =	stream.indirect.gather [hbm4b:s12+s22], $0x20, s8, s22, $0xb8;
	[tilespmem:$0x17000] =	vst v63  }
0x77: {  	s15 =	simm.s32 $0x180  }
0x78: {  	[tilespmem:s28], [sflag:$0x4] =	stream.indirect.gather [hbm4b:s12+s22], $0x20, s15, s22, $0xb8;
	[tilespmem:$0x17000] =	vst v63  }
0x79: {  	s9 =	smov.u32 s17;
	s17 =	simm.s32 $0x200  }
0x7a: {  	[tilespmem:s25], [sflag:$0x5] =	stream.indirect.gather [hbm4b:s12+s22], $0x20, s17, s22, $0xb8;
	[tilespmem:$0x17000] =	vst v63  }
0x7b: {  	s18 =	simm.s32 $0x280  }
0x7c: {  	[tilespmem:s0], [sflag:$0x6] =	stream.indirect.gather [hbm4b:s12+s22], $0x20, s18, s22, $0xb8;
	[tilespmem:$0x17000] =	vst v63  }
0x7d: {  	s25 =	simm.s32 $0x300  }
0x7e: {  	[tilespmem:s21], [sflag:$0x7] =	stream.indirect.gather [hbm4b:s12+s22], $0x20, s25, s22, $0xb8;
	[tilespmem:$0x17000] =	vst v63  }
0x7f: {  	s30 =	simm.s32 $0x380;
	s17 =	simm.s32 $0x0  }
0x80: {  	[tilespmem:s26], [sflag:$0x8] =	stream.indirect.gather [hbm4b:s12+s22], $0x20, s30, s22, $0xb8;
	[tilespmem:$0x17000] =	vst v63  }
.LBB2_2:
0x81: {  	_ =	swait.ge [sflag:s29], $0x1000  }
0x82: {  	s18 =	sshra.s32 s17, $0x2;
	[sflag:s29] =	ssyncset.done $0x0  }
0x83: {  	p0 =	seq.s32 s17, $0x0;
	s5 =	sadd.s32 $0x5000, s18;
	[sflag:s29] =	ssyncadd.s32 $0xFFFFF000  }
0x84: {  	[spmem:s2] =	stream.indirect.scatter.add.bf16 [tilespmem:s19], [sflag:$0x9], $0x20, s5, s22, $0xb8;
	[tilespmem:$0x17000] =	vst v63  }
0x85: {  	s5 =	simm.s32 @!p0 $0x10  }
0x86: {  	_ =	swait.ge @!p0 [sflag:s5], $0x1000  }
0x87: {  	[sflag:s5] =	ssyncset.done @!p0 $0x0  }
0x88: {  	[sflag:s5] =	ssyncadd.s32 @!p0 $0xFFFFF000;
	s5 =	sshra.s32 @!p0 s17, $0x2  }
0x89: {  	s15 =	simm.s32 @!p0 $0x80;
	s25 =	simm.s32 @!p0 $0x11000;
	s5 =	sadd.s32 @!p0 $0x380, s5  }
0x8a: {  	[tilespmem:s25], [sflag:$0x8] =	stream.indirect.gather @!p0 [hbm4b:s12+s15], $0x20, s5, s15, $0xb8;
	[tilespmem:$0x17000] =	vst v63  }
0x8b: {  	_ =	swait.ge [sflag:s31], $0x1000  }
0x8c: {  	[sflag:s31] =	ssyncset.done $0x0  }
0x8d: {  	s7 =	sadd.s32 $0x5080, s18;
	[sflag:s31] =	ssyncadd.s32 $0xFFFFF000  }
0x8e: {  	[spmem:s2] =	stream.indirect.scatter.add.bf16 [tilespmem:s23], [sflag:$0xA], $0x20, s7, s22, $0xb8;
	[tilespmem:$0x17000] =	vst v63  }
0x8f: {  	_ =	swait.ge [sflag:s1], $0x1000  }
0x90: {  	p0 =	seq.s32 s17, $0x13000;
	[sflag:s1] =	ssyncset.done $0x0  }
0x91: {  	s5 =	simm.s32 @p0 $0x3;
	[sflag:s1] =	ssyncadd.s32 $0xFFFFF000  }
0x92: {  	_ =	swait.ge @p0 [sflag:s5], $0x1000  }
0x93: {  	s15 =	sshra.s32 @p0 s17, $0x2;
	s30 =	simm.s32 @p0 $0xC000;
	[sflag:s5] =	ssyncset.done @p0 $0x0  }
0x94: {  	s25 =	sadd.s32 @p0 $0x5100, s15;
	[sflag:s5] =	ssyncadd.s32 @p0 $0xFFFFF000;
	s5 =	simm.s32 @p0 $0x80  }
0x95: {  	[spmem:s2] =	stream.indirect.scatter.add.bf16 @p0 [tilespmem:s30], [sflag:$0xB], $0x20, s25, s5, $0xb8;
	[tilespmem:$0x17000] =	vst v63  }
0x96: {  	s25 =	simm.s32 @p0 $0xA  }
0x97: {  	_ =	swait.ge @p0 [sflag:s25], $0x1000  }
0x98: {  	[sflag:s25] =	ssyncset.done @p0 $0x0  }
0x99: {  	[sflag:s25] =	ssyncadd.s32 @p0 $0xFFFFF000;
	s25 =	sshra.s32 @!p0 s17, $0x2  }
0x9a: {  	s7 =	simm.s32 @!p0 $0xA000;
	s30 =	simm.s32 @!p0 $0x80;
	s6 =	sadd.s32 @!p0 $0x400, s25  }
0x9b: {  	[tilespmem:s7], [sflag:$0x1] =	stream.indirect.gather @!p0 [hbm4b:s12+s30], $0x20, s6, s30, $0xb8;
	[tilespmem:$0x17000] =	vst v63  }
0x9c: {  	s6 =	simm.s32 @!p0 $0x3  }
0x9d: {  	_ =	swait.ge @!p0 [sflag:s6], $0x1000  }
0x9e: {  	[sflag:s6] =	ssyncset.done @!p0 $0x0  }
0x9f: {  	s7 =	simm.s32 @!p0 $0xC000;
	[sflag:s6] =	ssyncadd.s32 @!p0 $0xFFFFF000;
	s6 =	sadd.s32 @!p0 $0x5100, s25  }
0xa0: {  	[spmem:s2] =	stream.indirect.scatter.add.bf16 @!p0 [tilespmem:s7], [sflag:$0xB], $0x20, s6, s30, $0xb8;
	[tilespmem:$0x17000] =	vst v63  }
0xa1: {  	s6 =	simm.s32 @!p0 $0xA  }
0xa2: {  	_ =	swait.ge @!p0 [sflag:s6], $0x1000  }
0xa3: {  	[sflag:s6] =	ssyncset.done @!p0 $0x0  }
0xa4: {  	s8 =	simm.s32 @!p0 $0xB000;
	[sflag:s6] =	ssyncadd.s32 @!p0 $0xFFFFF000;
	s6 =	sadd.s32 @!p0 $0x480, s25  }
0xa5: {  	[tilespmem:s8], [sflag:$0x2] =	stream.indirect.gather @!p0 [hbm4b:s12+s30], $0x20, s6, s30, $0xb8;
	[tilespmem:$0x17000] =	vst v63  }
0xa6: {  	_ =	swait.ge [sflag:s24], $0x1000  }
0xa7: {  	[sflag:s24] =	ssyncset.done $0x0  }
0xa8: {  	s8 =	sadd.s32 $0x5180, s18;
	[sflag:s24] =	ssyncadd.s32 $0xFFFFF000  }
0xa9: {  	[spmem:s2] =	stream.indirect.scatter.add.bf16 [tilespmem:s28], [sflag:$0xC], $0x20, s8, s22, $0xb8;
	[tilespmem:$0x17000] =	vst v63  }
0xaa: {  	_ =	swait.ge [sflag:s4], $0x1000  }
0xab: {  	[sflag:s4] =	ssyncset.done $0x0  }
0xac: {  	s6 =	simm.s32 @p0 $0x5;
	[sflag:s4] =	ssyncadd.s32 $0xFFFFF000  }
0xad: {  	_ =	swait.ge @p0 [sflag:s6], $0x1000  }
0xae: {  	[sflag:s6] =	ssyncset.done @p0 $0x0  }
0xaf: {  	s8 =	simm.s32 @p0 $0xE000;
	[sflag:s6] =	ssyncadd.s32 @p0 $0xFFFFF000;
	s6 =	sadd.s32 @p0 $0x5200, s15  }
0xb0: {  	[spmem:s2] =	stream.indirect.scatter.add.bf16 @p0 [tilespmem:s8], [sflag:$0xD], $0x20, s6, s5, $0xb8;
	[tilespmem:$0x17000] =	vst v63  }
0xb1: {  	s6 =	simm.s32 @p0 $0xC  }
0xb2: {  	_ =	swait.ge @p0 [sflag:s6], $0x1000  }
0xb3: {  	[sflag:s6] =	ssyncset.done @p0 $0x0  }
0xb4: {  	[sflag:s6] =	ssyncadd.s32 @p0 $0xFFFFF000;
	s6 =	sadd.s32 @!p0 $0x500, s25  }
0xb5: {  	[tilespmem:s7], [sflag:$0x3] =	stream.indirect.gather @!p0 [hbm4b:s12+s30], $0x20, s6, s30, $0xb8;
	[tilespmem:$0x17000] =	vst v63  }
0xb6: {  	s6 =	simm.s32 @!p0 $0x5  }
0xb7: {  	_ =	swait.ge @!p0 [sflag:s6], $0x1000  }
0xb8: {  	[sflag:s6] =	ssyncset.done @!p0 $0x0  }
0xb9: {  	s7 =	simm.s32 @!p0 $0xE000;
	[sflag:s6] =	ssyncadd.s32 @!p0 $0xFFFFF000;
	s6 =	sadd.s32 @!p0 $0x5200, s25  }
0xba: {  	[spmem:s2] =	stream.indirect.scatter.add.bf16 @!p0 [tilespmem:s7], [sflag:$0xD], $0x20, s6, s30, $0xb8;
	[tilespmem:$0x17000] =	vst v63  }
0xbb: {  	s6 =	simm.s32 @!p0 $0xC  }
0xbc: {  	_ =	swait.ge @!p0 [sflag:s6], $0x1000  }
0xbd: {  	[sflag:s6] =	ssyncset.done @!p0 $0x0  }
0xbe: {  	s8 =	simm.s32 @!p0 $0xD000;
	[sflag:s6] =	ssyncadd.s32 @!p0 $0xFFFFF000;
	s6 =	sadd.s32 @!p0 $0x580, s25  }
0xbf: {  	[tilespmem:s8], [sflag:$0x4] =	stream.indirect.gather @!p0 [hbm4b:s12+s30], $0x20, s6, s30, $0xb8;
	[tilespmem:$0x17000] =	vst v63  }
0xc0: {  	_ =	swait.ge [sflag:s10], $0x1000  }
0xc1: {  	[sflag:s10] =	ssyncset.done $0x0  }
0xc2: {  	s8 =	sadd.s32 $0x5280, s18;
	[sflag:s10] =	ssyncadd.s32 $0xFFFFF000  }
0xc3: {  	[spmem:s2] =	stream.indirect.scatter.add.bf16 [tilespmem:s0], [sflag:$0xE], $0x20, s8, s22, $0xb8;
	[tilespmem:$0x17000] =	vst v63  }
0xc4: {  	_ =	swait.ge [sflag:s11], $0x1000  }
0xc5: {  	[sflag:s11] =	ssyncset.done $0x0  }
0xc6: {  	s6 =	simm.s32 @p0 $0x7;
	[sflag:s11] =	ssyncadd.s32 $0xFFFFF000  }
0xc7: {  	_ =	swait.ge @p0 [sflag:s6], $0x1000  }
0xc8: {  	[sflag:s6] =	ssyncset.done @p0 $0x0  }
0xc9: {  	s8 =	simm.s32 @p0 $0x10000;
	[sflag:s6] =	ssyncadd.s32 @p0 $0xFFFFF000;
	s6 =	sadd.s32 @p0 $0x5300, s15  }
0xca: {  	[spmem:s2] =	stream.indirect.scatter.add.bf16 @p0 [tilespmem:s8], [sflag:$0xF], $0x20, s6, s5, $0xb8;
	[tilespmem:$0x17000] =	vst v63  }
0xcb: {  	s5 =	simm.s32 @p0 $0xE  }
0xcc: {  	_ =	swait.ge @p0 [sflag:s5], $0x1000  }
0xcd: {  	[sflag:s5] =	ssyncset.done @p0 $0x0  }
0xce: {  	[sflag:s5] =	ssyncadd.s32 @p0 $0xFFFFF000;
	s5 =	sadd.s32 @!p0 $0x600, s25  }
0xcf: {  	[tilespmem:s7], [sflag:$0x5] =	stream.indirect.gather @!p0 [hbm4b:s12+s30], $0x20, s5, s30, $0xb8;
	[tilespmem:$0x17000] =	vst v63  }
0xd0: {  	s5 =	simm.s32 @!p0 $0x7  }
0xd1: {  	_ =	swait.ge @!p0 [sflag:s5], $0x1000  }
0xd2: {  	[sflag:s5] =	ssyncset.done @!p0 $0x0  }
0xd3: {  	s6 =	simm.s32 @!p0 $0x10000;
	[sflag:s5] =	ssyncadd.s32 @!p0 $0xFFFFF000;
	s5 =	sadd.s32 @!p0 $0x5300, s25  }
0xd4: {  	[spmem:s2] =	stream.indirect.scatter.add.bf16 @!p0 [tilespmem:s6], [sflag:$0xF], $0x20, s5, s30, $0xb8;
	[tilespmem:$0x17000] =	vst v63  }
0xd5: {  	s5 =	simm.s32 @!p0 $0xE  }
0xd6: {  	_ =	swait.ge @!p0 [sflag:s5], $0x1000  }
0xd7: {  	[sflag:s5] =	ssyncset.done @!p0 $0x0  }
0xd8: {  	s6 =	simm.s32 @!p0 $0xF000;
	[sflag:s5] =	ssyncadd.s32 @!p0 $0xFFFFF000;
	s5 =	sadd.s32 @!p0 $0x680, s25  }
0xd9: {  	[tilespmem:s6], [sflag:$0x6] =	stream.indirect.gather @!p0 [hbm4b:s12+s30], $0x20, s5, s30, $0xb8;
	[tilespmem:$0x17000] =	vst v63  }
0xda: {  	_ =	swait.ge [sflag:s13], $0x1000  }
0xdb: {  	[sflag:s13] =	ssyncset.done $0x0  }
.Ltmp2:
0xdc: {  	s30 =	sadd.s32 $0x5380, s18;
	[sflag:s13] =	ssyncadd.s32 $0xFFFFF000;
	(pc) =	sbr.rel @p0 .LBB2_4-.Ltmp2, $4  }
0xdd: {  	[spmem:s2] =	stream.indirect.scatter.add.bf16 [tilespmem:s26], [sflag:$0x10], $0x20, s30, s22, $0xb8;
	[tilespmem:$0x17000] =	vst v63  }
0xde: {  	_ =	swait.ge [sflag:s14], $0x1000  }
0xdf: {  	[sflag:s14] =	ssyncset.done $0x0  }
0xe0: {  	[sflag:s14] =	ssyncadd.s32 $0xFFFFF000  }
.Ltmp3:
0xe1: {  	(pc) =	sbr.rel .LBB2_2-.Ltmp3, $3  }
0xe2: {  	_ =	sdelay $0x1  }
0xe3: {  	s5 =	sadd.s32 $0x700, s18;
	s17 =	sadd.s32 $0x1000, s17  }
0xe4: {  	[tilespmem:s21], [sflag:$0x7] =	stream.indirect.gather [hbm4b:s12+s22], $0x20, s5, s22, $0xb8;
	[tilespmem:$0x17000] =	vst v63  }
.LBB2_5:
0xe5: {  	_ =	sfence.sel $0x180000  }
0xe6: {  	[bflag:$0x0] =	sbarrier.arrive $0xFFFF  }
0xe7: {  	_ =	strace $0x90000047  }
0xe8: {  	s0 =	stileid.u32;
	[bflag:$0x2] =	sbarrier.arrive $0xFFFF  }
0xe9: {  	p0 =	sne.s32 s0, $0x0;
	s0 =	rddreg [dreg:$0x3]  }
0xea: {  	s0 =	sadd.s32 @!p0 $0x100000, s0  }
0xeb: {  	[sflag:s0] =	ssyncadd.tile.s32 @!p0 $0x1;
	_ =	shalt  }
.Lfunc_end2:
_tile_overlayer_lowered:
.L_overlay_start_2:
0xec: {  	(tag) =	ssettag $0x2  }
0xed: {  	s0 =	rddreg [dreg:$0x0];
	s2 =	stileid.u32  }
0xee: {  	s1 =	rddreg [dreg:$0x1];
	p0 =	sne.s32 s2, $0x0  }
0xef: {  	s3 =	rddreg [dreg:$0x2];
	[bflag:$0x3] =	sbarrier.arrive $0xFFFF;
	s2 =	simm.s32 @!p0 $0x1C11  }
0xf0: {  	[timem:s3], [sflag:s2] =	dma.local @!p0 [hbm:s0], s1  }
0xf1: {  	s0 =	simm.s32 @!p0 $0x11  }
0xf2: {  	_ =	swait.ge @!p0 [sflag:s0], s1  }
0xf3: {  	s1 =	ssub.s32 @!p0 $0x0, s1;
	[sflag:s0] =	ssyncset.done @!p0 $0x0  }
0xf4: {  	[sflag:s0] =	ssyncadd.s32 @!p0 s1  }
0xf5: {  	[bflag:$0x3] =	sbarrier.arrive $0xFFFF  }
0xf6: {  	_ =	shalt  }

</sc_bundles>
